<compile_context>
chip_gen: v7x
topology: tpu7x:2x2x1
jax: 0.10.2.dev20260603
libtpu: 0.0.44.dev20260713+nightly
codegen_flags: <defaults>
</compile_context>

<pallas_src>
import jax
import jax.numpy as jnp
from jax import lax
from jax.experimental import pallas as pl
from jax.experimental.pallas import tpu as pltpu
from jax.experimental.pallas import tpu_sc as plsc

N_NODES = 10000
N_EDGES = 320000
D_FEAT = 128
BATCH_SIZE = 100
NODES_PER_GRAPH = 100

NC = 2
NS = 16
NW = NC * NS
EDGES_PER_TILE = N_EDGES // NW
CHUNK = 80
N_CHUNKS = EDGES_PER_TILE // CHUNK
ROW_STRIDE = 624
ROW_COPY = 640
K_AGG = 2
K_DEG = 5

_MESH = plsc.VectorSubcoreMesh(core_axis_name="c", subcore_axis_name="s")


def _sc_agg_body(h_hbm, src_hbm, dst_hbm, zeros_nd, out_agg,
                 src_slab, dst_slab, rows, gsems, ssems, agg_sp):
    c = lax.axis_index("c")
    s = lax.axis_index("s")
    wid = s * NC + c

    pltpu.sync_copy(zeros_nd.at[pl.ds(s * ROW_STRIDE, ROW_COPY)],
                    agg_sp.at[pl.ds(s * ROW_STRIDE, ROW_COPY)])
    pltpu.sync_copy(src_hbm.at[pl.ds(wid * EDGES_PER_TILE, EDGES_PER_TILE)],
                    src_slab)
    pltpu.sync_copy(dst_hbm.at[wid], dst_slab)
    plsc.subcore_barrier()

    def group_body(g, carry):
        gathers = []
        for j in range(K_AGG):
            i = g * K_AGG + j
            gathers.append(pltpu.async_copy(
                h_hbm.at[src_slab.at[pl.ds(i * CHUNK, CHUNK)]],
                rows[j], gsems[j]))
        scatters = []
        for j in range(K_AGG):
            i = g * K_AGG + j
            gathers[j].wait()
            scatters.append(pltpu.async_copy(rows[j],
                                             agg_sp.at[dst_slab.at[i]],
                                             ssems[j], add=True))
        for d in scatters:
            d.wait()
        return carry

    n_groups = N_CHUNKS // K_AGG
    lax.fori_loop(0, n_groups, group_body, None)
    for i in range(n_groups * K_AGG, N_CHUNKS):
        pltpu.async_copy(h_hbm.at[src_slab.at[pl.ds(i * CHUNK, CHUNK)]],
                         rows[0], gsems[0]).wait()
        pltpu.async_copy(rows[0], agg_sp.at[dst_slab.at[i]],
                         ssems[0], add=True).wait()

    plsc.subcore_barrier()
    pltpu.sync_copy(agg_sp.at[pl.ds(s * ROW_STRIDE, ROW_COPY)],
                    out_agg.at[pl.ds(c * N_NODES + s * ROW_STRIDE, ROW_COPY)])


_sc_agg = pl.kernel(
    _sc_agg_body,
    out_type=jax.ShapeDtypeStruct((NC * N_NODES, D_FEAT), jnp.float32),
    mesh=_MESH,
    scratch_types=[
        pltpu.VMEM((EDGES_PER_TILE,), jnp.int32),
        pltpu.VMEM((N_CHUNKS, CHUNK), jnp.int32),
        [pltpu.VMEM((CHUNK, D_FEAT), jnp.float32) for _ in range(K_AGG)],
        [pltpu.SemaphoreType.DMA for _ in range(K_AGG)],
        [pltpu.SemaphoreType.DMA for _ in range(K_AGG)],
        pltpu.VMEM_SHARED((N_NODES, D_FEAT), jnp.float32),
    ],
)


def _sc_agg_deg_body(h_hbm, src_hbm, dst_hbm, zeros_nd, ones_c,
                     out_agg, out_deg,
                     src_slab, dst_slab, rows, gsems, ssems, agg_sp):
    c = lax.axis_index("c")
    s = lax.axis_index("s")
    wid = s * NC + c

    pltpu.sync_copy(zeros_nd.at[pl.ds(s * ROW_STRIDE, ROW_COPY)],
                    agg_sp.at[pl.ds(s * ROW_STRIDE, ROW_COPY)])
    pltpu.sync_copy(src_hbm.at[pl.ds(wid * EDGES_PER_TILE, EDGES_PER_TILE)],
                    src_slab)
    pltpu.sync_copy(dst_hbm.at[wid], dst_slab)
    plsc.subcore_barrier()

    def agg_group(g, carry):
        gathers = []
        for j in range(K_AGG):
            i = g * K_AGG + j
            gathers.append(pltpu.async_copy(
                h_hbm.at[src_slab.at[pl.ds(i * CHUNK, CHUNK)]],
                rows[j], gsems[j]))
        scatters = []
        for j in range(K_AGG):
            i = g * K_AGG + j
            gathers[j].wait()
            scatters.append(pltpu.async_copy(rows[j],
                                             agg_sp.at[dst_slab.at[i]],
                                             ssems[j], add=True))
        for d in scatters:
            d.wait()
        return carry

    n_groups = N_CHUNKS // K_AGG
    lax.fori_loop(0, n_groups, agg_group, None)
    for i in range(n_groups * K_AGG, N_CHUNKS):
        pltpu.async_copy(h_hbm.at[src_slab.at[pl.ds(i * CHUNK, CHUNK)]],
                         rows[0], gsems[0]).wait()
        pltpu.async_copy(rows[0], agg_sp.at[dst_slab.at[i]],
                         ssems[0], add=True).wait()

    plsc.subcore_barrier()
    pltpu.sync_copy(agg_sp.at[pl.ds(s * ROW_STRIDE, ROW_COPY)],
                    out_agg.at[pl.ds(c * N_NODES + s * ROW_STRIDE, ROW_COPY)])
    plsc.subcore_barrier()

    pltpu.sync_copy(zeros_nd.at[pl.ds(s * ROW_STRIDE, ROW_COPY)],
                    agg_sp.at[pl.ds(s * ROW_STRIDE, ROW_COPY)])
    pltpu.sync_copy(ones_c, rows[0])
    plsc.subcore_barrier()

    def deg_group(g, carry):
        scatters = []
        for j in range(K_AGG):
            i = g * K_AGG + j
            scatters.append(pltpu.async_copy(rows[0],
                                             agg_sp.at[dst_slab.at[i]],
                                             ssems[j], add=True))
        for d in scatters:
            d.wait()
        return carry

    lax.fori_loop(0, n_groups, deg_group, None)
    for i in range(n_groups * K_AGG, N_CHUNKS):
        pltpu.async_copy(rows[0], agg_sp.at[dst_slab.at[i]],
                         ssems[0], add=True).wait()

    plsc.subcore_barrier()
    pltpu.sync_copy(agg_sp.at[pl.ds(s * ROW_STRIDE, ROW_COPY)],
                    out_deg.at[pl.ds(c * N_NODES + s * ROW_STRIDE, ROW_COPY)])


_sc_agg_deg = pl.kernel(
    _sc_agg_deg_body,
    out_type=(jax.ShapeDtypeStruct((NC * N_NODES, D_FEAT), jnp.float32),
              jax.ShapeDtypeStruct((NC * N_NODES, D_FEAT), jnp.float32)),
    mesh=_MESH,
    scratch_types=[
        pltpu.VMEM((EDGES_PER_TILE,), jnp.int32),
        pltpu.VMEM((N_CHUNKS, CHUNK), jnp.int32),
        [pltpu.VMEM((CHUNK, D_FEAT), jnp.float32) for _ in range(K_AGG)],
        [pltpu.SemaphoreType.DMA for _ in range(K_AGG)],
        [pltpu.SemaphoreType.DMA for _ in range(K_AGG)],
        pltpu.VMEM_SHARED((N_NODES, D_FEAT), jnp.float32),
    ],
)



_NBLK = 10
_BLK = N_NODES // _NBLK


def _tc_y_body(h_ref, p0_ref, p1_ref, d0_ref, d1_ref, wr_ref, wa_ref, b_ref,
               out_ref):
    agg = p0_ref[...] + p1_ref[...]
    deg = jnp.maximum(d0_ref[...] + d1_ref[...], 1.0)
    mean = agg / deg
    out_ref[...] = (
        jnp.dot(h_ref[...].astype(jnp.bfloat16),
                wr_ref[...].astype(jnp.bfloat16),
                preferred_element_type=jnp.float32)
        + jnp.dot(mean.astype(jnp.bfloat16),
                  wa_ref[...].astype(jnp.bfloat16),
                  preferred_element_type=jnp.float32)
        + b_ref[...])


_tc_y = pl.pallas_call(
    _tc_y_body,
    grid=(_NBLK,),
    in_specs=[
        pl.BlockSpec((_BLK, D_FEAT), lambda j: (j, 0)),
        pl.BlockSpec((_BLK, D_FEAT), lambda j: (j, 0)),
        pl.BlockSpec((_BLK, D_FEAT), lambda j: (j + _NBLK, 0)),
        pl.BlockSpec((_BLK, 1), lambda j: (j, 0)),
        pl.BlockSpec((_BLK, 1), lambda j: (j + _NBLK, 0)),
        pl.BlockSpec((D_FEAT, D_FEAT), lambda j: (0, 0)),
        pl.BlockSpec((D_FEAT, D_FEAT), lambda j: (0, 0)),
        pl.BlockSpec((D_FEAT,), lambda j: (0,)),
    ],
    out_specs=pl.BlockSpec((_BLK, D_FEAT), lambda j: (j, 0)),
    out_shape=jax.ShapeDtypeStruct((N_NODES, D_FEAT), jnp.float32),
)


def _tc_bn_body(y_ref, g_ref, be_ref, out_ref):
    y = y_ref[...]
    mu = jnp.mean(y, axis=0, keepdims=True)
    var = jnp.mean((y - mu) ** 2, axis=0, keepdims=True)
    out_ref[...] = jnp.maximum((y - mu) / jnp.sqrt(var + 1e-5) * g_ref[...]
                               + be_ref[...], 0.0)


_tc_bn = pl.pallas_call(
    _tc_bn_body,
    out_shape=jax.ShapeDtypeStruct((N_NODES, D_FEAT), jnp.float32),
)


def _tc_head_body(y_ref, g_ref, be_ref, batch_ref, ws1_ref, bs1_ref,
                  ws2_ref, bs2_ref, wh1_ref, bh1_ref, wh2_ref, bh2_ref,
                  wh3_ref, bh3_ref, out_ref):
    def dot(a, b):
        return jnp.dot(a.astype(jnp.bfloat16), b.astype(jnp.bfloat16),
                       preferred_element_type=jnp.float32)

    y = y_ref[...]
    mu = jnp.mean(y, axis=0, keepdims=True)
    var = jnp.mean((y - mu) ** 2, axis=0, keepdims=True)
    h2 = jnp.maximum((y - mu) / jnp.sqrt(var + 1e-5) * g_ref[...]
                     + be_ref[...], 0.0)
    gids = jax.lax.broadcasted_iota(jnp.int32, (BATCH_SIZE, N_NODES), 0)
    pool = jnp.where(batch_ref[...][None, :] == gids,
                     1.0 / NODES_PER_GRAPH, 0.0)
    t = jnp.maximum(jnp.dot(pool, h2, preferred_element_type=jnp.float32,
                            precision=jax.lax.Precision.HIGHEST), 0.0)
    t = dot(t, ws1_ref[...]) + bs1_ref[...]
    t = dot(t, ws2_ref[...]) + bs2_ref[...]
    t = jnp.maximum(t, 0.0)
    t = jnp.maximum(dot(t, wh1_ref[...]) + bh1_ref[...], 0.0)
    t = jnp.maximum(dot(t, wh2_ref[...]) + bh2_ref[...], 0.0)
    out_ref[...] = dot(t, wh3_ref[...]) + bh3_ref[...]


_tc_head = pl.pallas_call(
    _tc_head_body,
    out_shape=jax.ShapeDtypeStruct((BATCH_SIZE, 1), jnp.float32),
)


def kernel(x, edge_index, batch, Wr0, Wa0, b0, g0, be0, Wr1, Wa1, b1, g1,
           be1, Ws1, bs1, Ws2, bs2, Wh1, bh1, Wh2, bh2, Wh3, bh3):
    src_flat = edge_index[0]
    dst3 = edge_index[1].reshape(NW, N_CHUNKS, CHUNK)
    zeros_nd = jnp.zeros((N_NODES, D_FEAT), jnp.float32)
    ones_c = jnp.ones((CHUNK, D_FEAT), jnp.float32)

    agg0, degt = _sc_agg_deg(x, src_flat, dst3, zeros_nd, ones_c)
    deg2 = degt[:, :1]

    y0 = _tc_y(x, agg0, agg0, deg2, deg2, Wr0, Wa0, b0)
    h1 = _tc_bn(y0, g0, be0)

    agg1 = _sc_agg(h1, src_flat, dst3, zeros_nd)

    y1 = _tc_y(h1, agg1, agg1, deg2, deg2, Wr1, Wa1, b1)
    return _tc_head(y1, g1, be1, batch, Ws1, bs1, Ws2, bs2,
                    Wh1, bh1, Wh2, bh2, Wh3, bh3)

# --- scband reference (transcript-rebuilt; emitter-appended) ---
"""Pipeline reference for scband-base-1348619731207 (READ-ONLY COPY).

The authoritative reference and input builder live on the scoring server;
editing this copy changes nothing except your own understanding.
"""

import jax, jax.numpy as jnp
import numpy as np

N_NODES = 10000
N_EDGES = 320000
D_FEAT = 128
BATCH_SIZE = 100
NODES_PER_GRAPH = 100
D_SHARED = 128
D_HEAD = 128
HEAD_DIM = 1


def setup_inputs(seed: int = 0) -> dict:
    key = jax.random.key(seed)
    ks = jax.random.split(key, 24)

    def lin(k, din, dout):
        return jax.random.normal(k, (din, dout), dtype=jnp.float32) * (1.0 / np.sqrt(din))

    inp = {}
    inp["x"] = jax.random.normal(ks[0], (N_NODES, D_FEAT), dtype=jnp.float32)
    inp["edge_index"] = jax.random.randint(ks[1], (2, N_EDGES), 0, N_NODES, dtype=jnp.int32)
    # batch assigns nodes to graphs in sorted, graph-major order (100 graphs x 100 nodes)
    inp["batch"] = jnp.repeat(jnp.arange(BATCH_SIZE, dtype=jnp.int32), NODES_PER_GRAPH)
    # conv layer 0 (SAGE-style: root linear + mean-aggregated neighbor linear) + batchnorm params
    inp["Wr0"] = lin(ks[2], D_FEAT, D_FEAT)
    inp["Wa0"] = lin(ks[3], D_FEAT, D_FEAT)
    inp["b0"] = jnp.zeros((D_FEAT,), dtype=jnp.float32)
    inp["g0"] = jnp.ones((D_FEAT,), dtype=jnp.float32)
    inp["be0"] = jnp.zeros((D_FEAT,), dtype=jnp.float32)
    # conv layer 1 + batchnorm params
    inp["Wr1"] = lin(ks[4], D_FEAT, D_FEAT)
    inp["Wa1"] = lin(ks[5], D_FEAT, D_FEAT)
    inp["b1"] = jnp.zeros((D_FEAT,), dtype=jnp.float32)
    inp["g1"] = jnp.ones((D_FEAT,), dtype=jnp.float32)
    inp["be1"] = jnp.zeros((D_FEAT,), dtype=jnp.float32)
    # graph_shared: Sequential(ReLU, Linear(hidden, shared), Linear(shared, shared), ReLU)
    inp["Ws1"] = lin(ks[6], D_FEAT, D_SHARED)
    inp["bs1"] = jnp.zeros((D_SHARED,), dtype=jnp.float32)
    inp["Ws2"] = lin(ks[7], D_SHARED, D_SHARED)
    inp["bs2"] = jnp.zeros((D_SHARED,), dtype=jnp.float32)
    # graph head: Linear(shared, dh0) ReLU Linear(dh0, dh1) ReLU Linear(dh1, head_dim)
    inp["Wh1"] = lin(ks[8], D_SHARED, D_HEAD)
    inp["bh1"] = jnp.zeros((D_HEAD,), dtype=jnp.float32)
    inp["Wh2"] = lin(ks[9], D_HEAD, D_HEAD)
    inp["bh2"] = jnp.zeros((D_HEAD,), dtype=jnp.float32)
    inp["Wh3"] = lin(ks[10], D_HEAD, HEAD_DIM)
    inp["bh3"] = jnp.zeros((HEAD_DIM,), dtype=jnp.float32)
    return inp


def reference(x, edge_index, batch, Wr0, Wa0, b0, g0, be0, Wr1, Wa1, b1, g1, be1,
              Ws1, bs1, Ws2, bs2, Wh1, bh1, Wh2, bh2, Wh3, bh3):
    src = edge_index[0]
    dst = edge_index[1]

    def conv(h, Wr, Wa, b):
        msg = jnp.take(h, src, axis=0)
        agg = jax.ops.segment_sum(msg, dst, num_segments=N_NODES)
        deg = jax.ops.segment_sum(jnp.ones((N_EDGES,), dtype=h.dtype), dst, num_segments=N_NODES)
        mean = agg / jnp.maximum(deg, 1.0)[:, None]
        return h @ Wr + mean @ Wa + b

    def bn(h, g, be):
        mu = jnp.mean(h, axis=0)
        var = jnp.var(h, axis=0)
        return (h - mu) / jnp.sqrt(var + 1e-5) * g + be

    h = jax.nn.relu(bn(conv(x, Wr0, Wa0, b0), g0, be0))
    h = jax.nn.relu(bn(conv(h, Wr1, Wa1, b1), g1, be1))

    # global_mean_pool over graphs
    counts = jax.ops.segment_sum(jnp.ones((N_NODES,), dtype=h.dtype), batch, num_segments=BATCH_SIZE)
    x_graph = jax.ops.segment_sum(h, batch, num_segments=BATCH_SIZE) / jnp.maximum(counts, 1.0)[:, None]

    # node_features_reshape: [B*num_nodes, F] -> [B, F, num_nodes] (computed unconditionally in forward)
    x_nodes = jnp.transpose(h.reshape(BATCH_SIZE, NODES_PER_GRAPH, D_FEAT), (0, 2, 1))
    del x_nodes  # only graph head configured; reshape still performed as in original forward

    # graph_shared MLP
    t = jax.nn.relu(x_graph)
    t = t @ Ws1 + bs1
    t = t @ Ws2 + bs2
    t = jax.nn.relu(t)
    # graph head MLP
    t = jax.nn.relu(t @ Wh1 + bh1)
    t = jax.nn.relu(t @ Wh2 + bh2)
    outputs = t @ Wh3 + bh3
    return outputs

if __name__ == "__main__":
    import jax
    _d = setup_inputs()
    print(jax.jit(kernel)(*tuple(_d.values())))

</pallas_src>

<mosaic_0001>
#map = affine_map<(d0, d1) -> (0, 0)>
#map1 = affine_map<(d0, d1) -> (0)>
#map2 = affine_map<(d0, d1) -> (0, 0, 0)>
module attributes {stable_mosaic.version = 14 : i64} {
  func.func @_sc_agg_deg_body(%arg0: i32, %arg1: i32, %arg2: memref<10000x128xf32, #tpu.memory_space<hbm>>, %arg3: memref<320000xi32, #tpu.memory_space<hbm>>, %arg4: memref<32x125x80xi32, #tpu.memory_space<hbm>>, %arg5: memref<10000x128xf32, #tpu.memory_space<hbm>>, %arg6: memref<80x128xf32, #tpu.memory_space<hbm>>, %arg7: memref<20000x128xf32, #tpu.memory_space<hbm>>, %arg8: memref<20000x128xf32, #tpu.memory_space<hbm>>, %arg9: memref<10000xi32, #tpu.memory_space<vmem>>, %arg10: memref<125x80xi32, #tpu.memory_space<vmem>>, %arg11: memref<80x128xf32, #tpu.memory_space<vmem>>, %arg12: memref<80x128xf32, #tpu.memory_space<vmem>>, %arg13: memref<!tpu.dma_semaphore, #tpu.memory_space<semaphore_mem>>, %arg14: memref<!tpu.dma_semaphore, #tpu.memory_space<semaphore_mem>>, %arg15: memref<!tpu.dma_semaphore, #tpu.memory_space<semaphore_mem>>, %arg16: memref<!tpu.dma_semaphore, #tpu.memory_space<semaphore_mem>>, %arg17: memref<10000x128xf32, #tpu.memory_space<vmem_shared>>) attributes {dimension_semantics = [#tpu.dimension_semantics<core_parallel>, #tpu.dimension_semantics<subcore_parallel>], iteration_bounds = array<i64: 2, 16>, scalar_prefetch = 0 : i64, scratch_operands = 9 : i64, tpu.core_type = #tpu.core_type<sc_vector_subcore>, window_params = [{transform_indices = #map}, {transform_indices = #map1}, {transform_indices = #map2}, {transform_indices = #map}, {transform_indices = #map}, {transform_indices = #map}, {transform_indices = #map}]} {
    %mul3A = arith.constant 2 : i32
    %mul3A_0 = arith.muli %arg1, %mul3A : i32
    %add3A = arith.addi %mul3A_0, %arg0 : i32
    %mul3A_1 = arith.constant 624 : i32
    %mul3A_2 = arith.muli %arg1, %mul3A_1 : i32
    %mul3A_3 = arith.constant 624 : i32
    %mul3A_4 = arith.muli %arg1, %mul3A_3 : i32
    "tpu.region"() ({
      %run_scoped3A = tpu.sem_alloc : memref<!tpu.dma_semaphore, #tpu.memory_space<semaphore_mem>>
      %dma_start3A_74 = arith.constant 0 : i32
      %dma_start3A_75 = tpu.memref_slice %arg17[%mul3A_4, %dma_start3A_74] : memref<10000x128xf32, #tpu.memory_space<vmem_shared>> -> memref<640x128xf32, #tpu.memory_space<vmem_shared>>
      %dma_start3A_76 = arith.constant 0 : i32
      %dma_start3A_77 = tpu.memref_slice %arg5[%mul3A_2, %dma_start3A_76] : memref<10000x128xf32, #tpu.memory_space<hbm>> -> memref<640x128xf32, #tpu.memory_space<hbm>>
      tpu.enqueue_dma source(%dma_start3A_77 : memref<640x128xf32, #tpu.memory_space<hbm>>) target(%dma_start3A_75 : memref<640x128xf32, #tpu.memory_space<vmem_shared>>) target_semaphore(%run_scoped3A : memref<!tpu.dma_semaphore, #tpu.memory_space<semaphore_mem>>)
      %dma_wait3A_78 = arith.constant 0 : i32
      %dma_wait3A_79 = tpu.memref_slice %arg17[%mul3A_4, %dma_wait3A_78] : memref<10000x128xf32, #tpu.memory_space<vmem_shared>> -> memref<640x128xf32, #tpu.memory_space<vmem_shared>>
      %dma_wait3A_80 = arith.constant 0 : i32
      %dma_wait3A_81 = tpu.memref_slice %arg5[%mul3A_2, %dma_wait3A_80] : memref<10000x128xf32, #tpu.memory_space<hbm>> -> memref<640x128xf32, #tpu.memory_space<hbm>>
      tpu.wait_dma2 semaphore(%run_scoped3A : memref<!tpu.dma_semaphore, #tpu.memory_space<semaphore_mem>>) src(%dma_wait3A_81 : memref<640x128xf32, #tpu.memory_space<hbm>>) dst(%dma_wait3A_79 : memref<640x128xf32, #tpu.memory_space<vmem_shared>>)
      tpu.yield
    }) : () -> ()
    %mul3A_5 = arith.constant 10000 : i32
    %mul3A_6 = arith.muli %add3A, %mul3A_5 : i32
    "tpu.region"() ({
      %run_scoped3A = tpu.sem_alloc : memref<!tpu.dma_semaphore, #tpu.memory_space<semaphore_mem>>
      %dma_start3A_74 = tpu.memref_slice %arg3[%mul3A_6] : memref<320000xi32, #tpu.memory_space<hbm>> -> memref<10000xi32, #tpu.memory_space<hbm>>
      %dma_start3A_75 = tpu.memref_slice %arg3[%mul3A_6] : memref<320000xi32, #tpu.memory_space<hbm>> -> memref<10000xi32, #tpu.memory_space<hbm>>
      tpu.enqueue_dma source(%dma_start3A_75 : memref<10000xi32, #tpu.memory_space<hbm>>) target(%arg9 : memref<10000xi32, #tpu.memory_space<vmem>>) target_semaphore(%run_scoped3A : memref<!tpu.dma_semaphore, #tpu.memory_space<semaphore_mem>>)
      %dma_wait3A_76 = tpu.memref_slice %arg3[%mul3A_6] : memref<320000xi32, #tpu.memory_space<hbm>> -> memref<10000xi32, #tpu.memory_space<hbm>>
      %dma_wait3A_77 = tpu.memref_slice %arg3[%mul3A_6] : memref<320000xi32, #tpu.memory_space<hbm>> -> memref<10000xi32, #tpu.memory_space<hbm>>
      tpu.wait_dma2 semaphore(%run_scoped3A : memref<!tpu.dma_semaphore, #tpu.memory_space<semaphore_mem>>) src(%dma_wait3A_77 : memref<10000xi32, #tpu.memory_space<hbm>>) dst(%arg9 : memref<10000xi32, #tpu.memory_space<vmem>>)
      tpu.yield
    }) : () -> ()
    "tpu.region"() ({
      %run_scoped3A = tpu.sem_alloc : memref<!tpu.dma_semaphore, #tpu.memory_space<semaphore_mem>>
      %dma_start3A_74 = arith.constant 0 : i32
      %dma_start3A_75 = arith.constant 0 : i32
      %dma_start3A_76 = tpu.memref_slice %arg4[%add3A, %dma_start3A_74, %dma_start3A_75] : memref<32x125x80xi32, #tpu.memory_space<hbm>> -> memref<1x125x80xi32, #tpu.memory_space<hbm>>
      %dma_start3A_77 = tpu.memref_squeeze %dma_start3A_76 : memref<1x125x80xi32, #tpu.memory_space<hbm>> -> memref<125x80xi32, #tpu.memory_space<hbm>>
      %dma_start3A_78 = arith.constant 0 : i32
      %dma_start3A_79 = arith.constant 0 : i32
      %dma_start3A_80 = tpu.memref_slice %arg4[%add3A, %dma_start3A_78, %dma_start3A_79] : memref<32x125x80xi32, #tpu.memory_space<hbm>> -> memref<1x125x80xi32, #tpu.memory_space<hbm>>
      %dma_start3A_81 = tpu.memref_squeeze %dma_start3A_80 : memref<1x125x80xi32, #tpu.memory_space<hbm>> -> memref<125x80xi32, #tpu.memory_space<hbm>>
      tpu.enqueue_dma source(%dma_start3A_81 : memref<125x80xi32, #tpu.memory_space<hbm>>) target(%arg10 : memref<125x80xi32, #tpu.memory_space<vmem>>) target_semaphore(%run_scoped3A : memref<!tpu.dma_semaphore, #tpu.memory_space<semaphore_mem>>)
      %dma_wait3A_82 = arith.constant 0 : i32
      %dma_wait3A_83 = arith.constant 0 : i32
      %dma_wait3A_84 = tpu.memref_slice %arg4[%add3A, %dma_wait3A_82, %dma_wait3A_83] : memref<32x125x80xi32, #tpu.memory_space<hbm>> -> memref<1x125x80xi32, #tpu.memory_space<hbm>>
      %dma_wait3A_85 = tpu.memref_squeeze %dma_wait3A_84 : memref<1x125x80xi32, #tpu.memory_space<hbm>> -> memref<125x80xi32, #tpu.memory_space<hbm>>
      %dma_wait3A_86 = arith.constant 0 : i32
      %dma_wait3A_87 = arith.constant 0 : i32
      %dma_wait3A_88 = tpu.memref_slice %arg4[%add3A, %dma_wait3A_86, %dma_wait3A_87] : memref<32x125x80xi32, #tpu.memory_space<hbm>> -> memref<1x125x80xi32, #tpu.memory_space<hbm>>
      %dma_wait3A_89 = tpu.memref_squeeze %dma_wait3A_88 : memref<1x125x80xi32, #tpu.memory_space<hbm>> -> memref<125x80xi32, #tpu.memory_space<hbm>>
      tpu.wait_dma2 semaphore(%run_scoped3A : memref<!tpu.dma_semaphore, #tpu.memory_space<semaphore_mem>>) src(%dma_wait3A_89 : memref<125x80xi32, #tpu.memory_space<hbm>>) dst(%arg10 : memref<125x80xi32, #tpu.memory_space<vmem>>)
      tpu.yield
    }) : () -> ()
    %barrier3A = arith.constant 0 : index
    tpu.barrier barrier_id(%barrier3A)
    %scan3A = arith.constant 0 : i32
    %scan3A_7 = arith.constant 62 : i32
    %scan3A_8 = arith.addi %scan3A, %scan3A_7 : i32
    %scan3A_9 = arith.constant 1 : i32
    scf.for %scan3A_74 = %scan3A to %scan3A_8 step %scan3A_9  : i32 {
      %mul3A_75 = arith.constant 2 : i32
      %mul3A_76 = arith.muli %scan3A_74, %mul3A_75 : i32
      %add3A_77 = arith.constant 0 : i32
      %add3A_78 = arith.addi %mul3A_76, %add3A_77 : i32
      %mul3A_79 = arith.constant 80 : i32
      %mul3A_80 = arith.muli %add3A_78, %mul3A_79 : i32
      %dma_start3A_81 = tpu.memref_slice %arg9[%mul3A_80] : memref<10000xi32, #tpu.memory_space<vmem>> -> memref<80xi32, #tpu.memory_space<vmem>>
      %dma_start3A_82 = arith.constant 0 : i32
      %dma_start3A_83 = arith.constant 0 : i32
      %dma_start3A_84 = tpu.memref_slice %arg2[%dma_start3A_82, %dma_start3A_83] : memref<10000x128xf32, #tpu.memory_space<hbm>> -> memref<10000x128xf32, #tpu.memory_space<hbm>>
      tpu.enqueue_indirect_dma source(%dma_start3A_84 : memref<10000x128xf32, #tpu.memory_space<hbm>>) target(%arg11 : memref<80x128xf32, #tpu.memory_space<vmem>>) offsets(%dma_start3A_81 : memref<80xi32, #tpu.memory_space<vmem>>) semaphore(%arg13 : memref<!tpu.dma_semaphore, #tpu.memory_space<semaphore_mem>>)
      %mul3A_85 = arith.constant 2 : i32
      %mul3A_86 = arith.muli %scan3A_74, %mul3A_85 : i32
      %add3A_87 = arith.constant 1 : i32
      %add3A_88 = arith.addi %mul3A_86, %add3A_87 : i32
      %mul3A_89 = arith.constant 80 : i32
      %mul3A_90 = arith.muli %add3A_88, %mul3A_89 : i32
      %dma_start3A_91 = tpu.memref_slice %arg9[%mul3A_90] : memref<10000xi32, #tpu.memory_space<vmem>> -> memref<80xi32, #tpu.memory_space<vmem>>
      %dma_start3A_92 = arith.constant 0 : i32
      %dma_start3A_93 = arith.constant 0 : i32
      %dma_start3A_94 = tpu.memref_slice %arg2[%dma_start3A_92, %dma_start3A_93] : memref<10000x128xf32, #tpu.memory_space<hbm>> -> memref<10000x128xf32, #tpu.memory_space<hbm>>
      tpu.enqueue_indirect_dma source(%dma_start3A_94 : memref<10000x128xf32, #tpu.memory_space<hbm>>) target(%arg12 : memref<80x128xf32, #tpu.memory_space<vmem>>) offsets(%dma_start3A_91 : memref<80xi32, #tpu.memory_space<vmem>>) semaphore(%arg14 : memref<!tpu.dma_semaphore, #tpu.memory_space<semaphore_mem>>)
      %mul3A_95 = arith.constant 2 : i32
      %mul3A_96 = arith.muli %scan3A_74, %mul3A_95 : i32
      %add3A_97 = arith.constant 0 : i32
      %add3A_98 = arith.addi %mul3A_96, %add3A_97 : i32
      %dma_wait3A_99 = tpu.memref_slice %arg9[%mul3A_80] : memref<10000xi32, #tpu.memory_space<vmem>> -> memref<80xi32, #tpu.memory_space<vmem>>
      %dma_wait3A_100 = arith.constant 0 : i32
      %dma_wait3A_101 = arith.constant 0 : i32
      %dma_wait3A_102 = tpu.memref_slice %arg2[%dma_wait3A_100, %dma_wait3A_101] : memref<10000x128xf32, #tpu.memory_space<hbm>> -> memref<10000x128xf32, #tpu.memory_space<hbm>>
      tpu.wait_indirect_dma semaphore(%arg13 : memref<!tpu.dma_semaphore, #tpu.memory_space<semaphore_mem>>) src(%dma_wait3A_102 : memref<10000x128xf32, #tpu.memory_space<hbm>>) dst(%arg11 : memref<80x128xf32, #tpu.memory_space<vmem>>)
      %dma_start3A_103 = arith.constant 0 : i32
      %dma_start3A_104 = tpu.memref_slice %arg10[%add3A_98, %dma_start3A_103] : memref<125x80xi32, #tpu.memory_space<vmem>> -> memref<1x80xi32, #tpu.memory_space<vmem>>
      %dma_start3A_105 = tpu.memref_squeeze %dma_start3A_104 : memref<1x80xi32, #tpu.memory_space<vmem>> -> memref<80xi32, #tpu.memory_space<vmem>>
      %dma_start3A_106 = arith.constant 0 : i32
      %dma_start3A_107 = arith.constant 0 : i32
      %dma_start3A_108 = tpu.memref_slice %arg17[%dma_start3A_106, %dma_start3A_107] : memref<10000x128xf32, #tpu.memory_space<vmem_shared>> -> memref<10000x128xf32, #tpu.memory_space<vmem_shared>>
      tpu.enqueue_indirect_dma source(%arg11 : memref<80x128xf32, #tpu.memory_space<vmem>>) target(%dma_start3A_108 : memref<10000x128xf32, #tpu.memory_space<vmem_shared>>) offsets(%dma_start3A_105 : memref<80xi32, #tpu.memory_space<vmem>>) semaphore(%arg15 : memref<!tpu.dma_semaphore, #tpu.memory_space<semaphore_mem>>) {add = true}
      %mul3A_109 = arith.constant 2 : i32
      %mul3A_110 = arith.muli %scan3A_74, %mul3A_109 : i32
      %add3A_111 = arith.constant 1 : i32
      %add3A_112 = arith.addi %mul3A_110, %add3A_111 : i32
      %dma_wait3A_113 = tpu.memref_slice %arg9[%mul3A_90] : memref<10000xi32, #tpu.memory_space<vmem>> -> memref<80xi32, #tpu.memory_space<vmem>>
      %dma_wait3A_114 = arith.constant 0 : i32
      %dma_wait3A_115 = arith.constant 0 : i32
      %dma_wait3A_116 = tpu.memref_slice %arg2[%dma_wait3A_114, %dma_wait3A_115] : memref<10000x128xf32, #tpu.memory_space<hbm>> -> memref<10000x128xf32, #tpu.memory_space<hbm>>
      tpu.wait_indirect_dma semaphore(%arg14 : memref<!tpu.dma_semaphore, #tpu.memory_space<semaphore_mem>>) src(%dma_wait3A_116 : memref<10000x128xf32, #tpu.memory_space<hbm>>) dst(%arg12 : memref<80x128xf32, #tpu.memory_space<vmem>>)
      %dma_start3A_117 = arith.constant 0 : i32
      %dma_start3A_118 = tpu.memref_slice %arg10[%add3A_112, %dma_start3A_117] : memref<125x80xi32, #tpu.memory_space<vmem>> -> memref<1x80xi32, #tpu.memory_space<vmem>>
      %dma_start3A_119 = tpu.memref_squeeze %dma_start3A_118 : memref<1x80xi32, #tpu.memory_space<vmem>> -> memref<80xi32, #tpu.memory_space<vmem>>
      %dma_start3A_120 = arith.constant 0 : i32
      %dma_start3A_121 = arith.constant 0 : i32
      %dma_start3A_122 = tpu.memref_slice %arg17[%dma_start3A_120, %dma_start3A_121] : memref<10000x128xf32, #tpu.memory_space<vmem_shared>> -> memref<10000x128xf32, #tpu.memory_space<vmem_shared>>
      tpu.enqueue_indirect_dma source(%arg12 : memref<80x128xf32, #tpu.memory_space<vmem>>) target(%dma_start3A_122 : memref<10000x128xf32, #tpu.memory_space<vmem_shared>>) offsets(%dma_start3A_119 : memref<80xi32, #tpu.memory_space<vmem>>) semaphore(%arg16 : memref<!tpu.dma_semaphore, #tpu.memory_space<semaphore_mem>>) {add = true}
      %dma_wait3A_123 = arith.constant 0 : i32
      %dma_wait3A_124 = tpu.memref_slice %arg10[%add3A_98, %dma_wait3A_123] : memref<125x80xi32, #tpu.memory_space<vmem>> -> memref<1x80xi32, #tpu.memory_space<vmem>>
      %dma_wait3A_125 = tpu.memref_squeeze %dma_wait3A_124 : memref<1x80xi32, #tpu.memory_space<vmem>> -> memref<80xi32, #tpu.memory_space<vmem>>
      %dma_wait3A_126 = arith.constant 0 : i32
      %dma_wait3A_127 = arith.constant 0 : i32
      %dma_wait3A_128 = tpu.memref_slice %arg17[%dma_wait3A_126, %dma_wait3A_127] : memref<10000x128xf32, #tpu.memory_space<vmem_shared>> -> memref<10000x128xf32, #tpu.memory_space<vmem_shared>>
      tpu.wait_indirect_dma semaphore(%arg15 : memref<!tpu.dma_semaphore, #tpu.memory_space<semaphore_mem>>) src(%arg11 : memref<80x128xf32, #tpu.memory_space<vmem>>) dst(%dma_wait3A_128 : memref<10000x128xf32, #tpu.memory_space<vmem_shared>>)
      %dma_wait3A_129 = arith.constant 0 : i32
      %dma_wait3A_130 = tpu.memref_slice %arg10[%add3A_112, %dma_wait3A_129] : memref<125x80xi32, #tpu.memory_space<vmem>> -> memref<1x80xi32, #tpu.memory_space<vmem>>
      %dma_wait3A_131 = tpu.memref_squeeze %dma_wait3A_130 : memref<1x80xi32, #tpu.memory_space<vmem>> -> memref<80xi32, #tpu.memory_space<vmem>>
      %dma_wait3A_132 = arith.constant 0 : i32
      %dma_wait3A_133 = arith.constant 0 : i32
      %dma_wait3A_134 = tpu.memref_slice %arg17[%dma_wait3A_132, %dma_wait3A_133] : memref<10000x128xf32, #tpu.memory_space<vmem_shared>> -> memref<10000x128xf32, #tpu.memory_space<vmem_shared>>
      tpu.wait_indirect_dma semaphore(%arg16 : memref<!tpu.dma_semaphore, #tpu.memory_space<semaphore_mem>>) src(%arg12 : memref<80x128xf32, #tpu.memory_space<vmem>>) dst(%dma_wait3A_134 : memref<10000x128xf32, #tpu.memory_space<vmem_shared>>)
    }
    %scan3A_10 = arith.constant 62 : i32
    %dma_start3A = arith.constant 9920 : i32
    %dma_start3A_11 = tpu.memref_slice %arg9[%dma_start3A] : memref<10000xi32, #tpu.memory_space<vmem>> -> memref<80xi32, #tpu.memory_space<vmem>>
    %dma_start3A_12 = arith.constant 0 : i32
    %dma_start3A_13 = arith.constant 0 : i32
    %dma_start3A_14 = tpu.memref_slice %arg2[%dma_start3A_12, %dma_start3A_13] : memref<10000x128xf32, #tpu.memory_space<hbm>> -> memref<10000x128xf32, #tpu.memory_space<hbm>>
    tpu.enqueue_indirect_dma source(%dma_start3A_14 : memref<10000x128xf32, #tpu.memory_space<hbm>>) target(%arg11 : memref<80x128xf32, #tpu.memory_space<vmem>>) offsets(%dma_start3A_11 : memref<80xi32, #tpu.memory_space<vmem>>) semaphore(%arg13 : memref<!tpu.dma_semaphore, #tpu.memory_space<semaphore_mem>>)
    %dma_wait3A = arith.constant 9920 : i32
    %dma_wait3A_15 = tpu.memref_slice %arg9[%dma_wait3A] : memref<10000xi32, #tpu.memory_space<vmem>> -> memref<80xi32, #tpu.memory_space<vmem>>
    %dma_wait3A_16 = arith.constant 0 : i32
    %dma_wait3A_17 = arith.constant 0 : i32
    %dma_wait3A_18 = tpu.memref_slice %arg2[%dma_wait3A_16, %dma_wait3A_17] : memref<10000x128xf32, #tpu.memory_space<hbm>> -> memref<10000x128xf32, #tpu.memory_space<hbm>>
    tpu.wait_indirect_dma semaphore(%arg13 : memref<!tpu.dma_semaphore, #tpu.memory_space<semaphore_mem>>) src(%dma_wait3A_18 : memref<10000x128xf32, #tpu.memory_space<hbm>>) dst(%arg11 : memref<80x128xf32, #tpu.memory_space<vmem>>)
    %dma_start3A_19 = arith.constant 124 : i32
    %dma_start3A_20 = arith.constant 0 : i32
    %dma_start3A_21 = tpu.memref_slice %arg10[%dma_start3A_19, %dma_start3A_20] : memref<125x80xi32, #tpu.memory_space<vmem>> -> memref<1x80xi32, #tpu.memory_space<vmem>>
    %dma_start3A_22 = tpu.memref_squeeze %dma_start3A_21 : memref<1x80xi32, #tpu.memory_space<vmem>> -> memref<80xi32, #tpu.memory_space<vmem>>
    %dma_start3A_23 = arith.constant 0 : i32
    %dma_start3A_24 = arith.constant 0 : i32
    %dma_start3A_25 = tpu.memref_slice %arg17[%dma_start3A_23, %dma_start3A_24] : memref<10000x128xf32, #tpu.memory_space<vmem_shared>> -> memref<10000x128xf32, #tpu.memory_space<vmem_shared>>
    tpu.enqueue_indirect_dma source(%arg11 : memref<80x128xf32, #tpu.memory_space<vmem>>) target(%dma_start3A_25 : memref<10000x128xf32, #tpu.memory_space<vmem_shared>>) offsets(%dma_start3A_22 : memref<80xi32, #tpu.memory_space<vmem>>) semaphore(%arg15 : memref<!tpu.dma_semaphore, #tpu.memory_space<semaphore_mem>>) {add = true}
    %dma_wait3A_26 = arith.constant 124 : i32
    %dma_wait3A_27 = arith.constant 0 : i32
    %dma_wait3A_28 = tpu.memref_slice %arg10[%dma_wait3A_26, %dma_wait3A_27] : memref<125x80xi32, #tpu.memory_space<vmem>> -> memref<1x80xi32, #tpu.memory_space<vmem>>
    %dma_wait3A_29 = tpu.memref_squeeze %dma_wait3A_28 : memref<1x80xi32, #tpu.memory_space<vmem>> -> memref<80xi32, #tpu.memory_space<vmem>>
    %dma_wait3A_30 = arith.constant 0 : i32
    %dma_wait3A_31 = arith.constant 0 : i32
    %dma_wait3A_32 = tpu.memref_slice %arg17[%dma_wait3A_30, %dma_wait3A_31] : memref<10000x128xf32, #tpu.memory_space<vmem_shared>> -> memref<10000x128xf32, #tpu.memory_space<vmem_shared>>
    tpu.wait_indirect_dma semaphore(%arg15 : memref<!tpu.dma_semaphore, #tpu.memory_space<semaphore_mem>>) src(%arg11 : memref<80x128xf32, #tpu.memory_space<vmem>>) dst(%dma_wait3A_32 : memref<10000x128xf32, #tpu.memory_space<vmem_shared>>)
    %barrier3A_33 = arith.constant 0 : index
    tpu.barrier barrier_id(%barrier3A_33)
    %mul3A_34 = arith.constant 624 : i32
    %mul3A_35 = arith.muli %arg1, %mul3A_34 : i32
    %mul3A_36 = arith.constant 10000 : i32
    %mul3A_37 = arith.muli %arg0, %mul3A_36 : i32
    %mul3A_38 = arith.constant 624 : i32
    %mul3A_39 = arith.muli %arg1, %mul3A_38 : i32
    %add3A_40 = arith.addi %mul3A_37, %mul3A_39 : i32
    "tpu.region"() ({
      %run_scoped3A = tpu.sem_alloc : memref<!tpu.dma_semaphore, #tpu.memory_space<semaphore_mem>>
      %dma_start3A_74 = arith.constant 0 : i32
      %dma_start3A_75 = tpu.memref_slice %arg7[%add3A_40, %dma_start3A_74] : memref<20000x128xf32, #tpu.memory_space<hbm>> -> memref<640x128xf32, #tpu.memory_space<hbm>>
      %dma_start3A_76 = arith.constant 0 : i32
      %dma_start3A_77 = tpu.memref_slice %arg17[%mul3A_35, %dma_start3A_76] : memref<10000x128xf32, #tpu.memory_space<vmem_shared>> -> memref<640x128xf32, #tpu.memory_space<vmem_shared>>
      tpu.enqueue_dma source(%dma_start3A_77 : memref<640x128xf32, #tpu.memory_space<vmem_shared>>) target(%dma_start3A_75 : memref<640x128xf32, #tpu.memory_space<hbm>>) target_semaphore(%run_scoped3A : memref<!tpu.dma_semaphore, #tpu.memory_space<semaphore_mem>>)
      %dma_wait3A_78 = arith.constant 0 : i32
      %dma_wait3A_79 = tpu.memref_slice %arg7[%add3A_40, %dma_wait3A_78] : memref<20000x128xf32, #tpu.memory_space<hbm>> -> memref<640x128xf32, #tpu.memory_space<hbm>>
      %dma_wait3A_80 = arith.constant 0 : i32
      %dma_wait3A_81 = tpu.memref_slice %arg17[%mul3A_35, %dma_wait3A_80] : memref<10000x128xf32, #tpu.memory_space<vmem_shared>> -> memref<640x128xf32, #tpu.memory_space<vmem_shared>>
      tpu.wait_dma2 semaphore(%run_scoped3A : memref<!tpu.dma_semaphore, #tpu.memory_space<semaphore_mem>>) src(%dma_wait3A_81 : memref<640x128xf32, #tpu.memory_space<vmem_shared>>) dst(%dma_wait3A_79 : memref<640x128xf32, #tpu.memory_space<hbm>>)
      tpu.yield
    }) : () -> ()
    %barrier3A_41 = arith.constant 0 : index
    tpu.barrier barrier_id(%barrier3A_41)
    %mul3A_42 = arith.constant 624 : i32
    %mul3A_43 = arith.muli %arg1, %mul3A_42 : i32
    %mul3A_44 = arith.constant 624 : i32
    %mul3A_45 = arith.muli %arg1, %mul3A_44 : i32
    "tpu.region"() ({
      %run_scoped3A = tpu.sem_alloc : memref<!tpu.dma_semaphore, #tpu.memory_space<semaphore_mem>>
      %dma_start3A_74 = arith.constant 0 : i32
      %dma_start3A_75 = tpu.memref_slice %arg17[%mul3A_45, %dma_start3A_74] : memref<10000x128xf32, #tpu.memory_space<vmem_shared>> -> memref<640x128xf32, #tpu.memory_space<vmem_shared>>
      %dma_start3A_76 = arith.constant 0 : i32
      %dma_start3A_77 = tpu.memref_slice %arg5[%mul3A_43, %dma_start3A_76] : memref<10000x128xf32, #tpu.memory_space<hbm>> -> memref<640x128xf32, #tpu.memory_space<hbm>>
      tpu.enqueue_dma source(%dma_start3A_77 : memref<640x128xf32, #tpu.memory_space<hbm>>) target(%dma_start3A_75 : memref<640x128xf32, #tpu.memory_space<vmem_shared>>) target_semaphore(%run_scoped3A : memref<!tpu.dma_semaphore, #tpu.memory_space<semaphore_mem>>)
      %dma_wait3A_78 = arith.constant 0 : i32
      %dma_wait3A_79 = tpu.memref_slice %arg17[%mul3A_45, %dma_wait3A_78] : memref<10000x128xf32, #tpu.memory_space<vmem_shared>> -> memref<640x128xf32, #tpu.memory_space<vmem_shared>>
      %dma_wait3A_80 = arith.constant 0 : i32
      %dma_wait3A_81 = tpu.memref_slice %arg5[%mul3A_43, %dma_wait3A_80] : memref<10000x128xf32, #tpu.memory_space<hbm>> -> memref<640x128xf32, #tpu.memory_space<hbm>>
      tpu.wait_dma2 semaphore(%run_scoped3A : memref<!tpu.dma_semaphore, #tpu.memory_space<semaphore_mem>>) src(%dma_wait3A_81 : memref<640x128xf32, #tpu.memory_space<hbm>>) dst(%dma_wait3A_79 : memref<640x128xf32, #tpu.memory_space<vmem_shared>>)
      tpu.yield
    }) : () -> ()
    "tpu.region"() ({
      %run_scoped3A = tpu.sem_alloc : memref<!tpu.dma_semaphore, #tpu.memory_space<semaphore_mem>>
      tpu.enqueue_dma source(%arg6 : memref<80x128xf32, #tpu.memory_space<hbm>>) target(%arg11 : memref<80x128xf32, #tpu.memory_space<vmem>>) target_semaphore(%run_scoped3A : memref<!tpu.dma_semaphore, #tpu.memory_space<semaphore_mem>>)
      tpu.wait_dma2 semaphore(%run_scoped3A : memref<!tpu.dma_semaphore, #tpu.memory_space<semaphore_mem>>) src(%arg6 : memref<80x128xf32, #tpu.memory_space<hbm>>) dst(%arg11 : memref<80x128xf32, #tpu.memory_space<vmem>>)
      tpu.yield
    }) : () -> ()
    %barrier3A_46 = arith.constant 0 : index
    tpu.barrier barrier_id(%barrier3A_46)
    %scan3A_47 = arith.constant 0 : i32
    %scan3A_48 = arith.constant 62 : i32
    %scan3A_49 = arith.addi %scan3A_47, %scan3A_48 : i32
    %scan3A_50 = arith.constant 1 : i32
    scf.for %scan3A_74 = %scan3A_47 to %scan3A_49 step %scan3A_50  : i32 {
      %mul3A_75 = arith.constant 2 : i32
      %mul3A_76 = arith.muli %scan3A_74, %mul3A_75 : i32
      %add3A_77 = arith.constant 0 : i32
      %add3A_78 = arith.addi %mul3A_76, %add3A_77 : i32
      %dma_start3A_79 = arith.constant 0 : i32
      %dma_start3A_80 = tpu.memref_slice %arg10[%add3A_78, %dma_start3A_79] : memref<125x80xi32, #tpu.memory_space<vmem>> -> memref<1x80xi32, #tpu.memory_space<vmem>>
      %dma_start3A_81 = tpu.memref_squeeze %dma_start3A_80 : memref<1x80xi32, #tpu.memory_space<vmem>> -> memref<80xi32, #tpu.memory_space<vmem>>
      %dma_start3A_82 = arith.constant 0 : i32
      %dma_start3A_83 = arith.constant 0 : i32
      %dma_start3A_84 = tpu.memref_slice %arg17[%dma_start3A_82, %dma_start3A_83] : memref<10000x128xf32, #tpu.memory_space<vmem_shared>> -> memref<10000x128xf32, #tpu.memory_space<vmem_shared>>
      tpu.enqueue_indirect_dma source(%arg11 : memref<80x128xf32, #tpu.memory_space<vmem>>) target(%dma_start3A_84 : memref<10000x128xf32, #tpu.memory_space<vmem_shared>>) offsets(%dma_start3A_81 : memref<80xi32, #tpu.memory_space<vmem>>) semaphore(%arg15 : memref<!tpu.dma_semaphore, #tpu.memory_space<semaphore_mem>>) {add = true}
      %mul3A_85 = arith.constant 2 : i32
      %mul3A_86 = arith.muli %scan3A_74, %mul3A_85 : i32
      %add3A_87 = arith.constant 1 : i32
      %add3A_88 = arith.addi %mul3A_86, %add3A_87 : i32
      %dma_start3A_89 = arith.constant 0 : i32
      %dma_start3A_90 = tpu.memref_slice %arg10[%add3A_88, %dma_start3A_89] : memref<125x80xi32, #tpu.memory_space<vmem>> -> memref<1x80xi32, #tpu.memory_space<vmem>>
      %dma_start3A_91 = tpu.memref_squeeze %dma_start3A_90 : memref<1x80xi32, #tpu.memory_space<vmem>> -> memref<80xi32, #tpu.memory_space<vmem>>
      %dma_start3A_92 = arith.constant 0 : i32
      %dma_start3A_93 = arith.constant 0 : i32
      %dma_start3A_94 = tpu.memref_slice %arg17[%dma_start3A_92, %dma_start3A_93] : memref<10000x128xf32, #tpu.memory_space<vmem_shared>> -> memref<10000x128xf32, #tpu.memory_space<vmem_shared>>
      tpu.enqueue_indirect_dma source(%arg11 : memref<80x128xf32, #tpu.memory_space<vmem>>) target(%dma_start3A_94 : memref<10000x128xf32, #tpu.memory_space<vmem_shared>>) offsets(%dma_start3A_91 : memref<80xi32, #tpu.memory_space<vmem>>) semaphore(%arg16 : memref<!tpu.dma_semaphore, #tpu.memory_space<semaphore_mem>>) {add = true}
      %dma_wait3A_95 = arith.constant 0 : i32
      %dma_wait3A_96 = tpu.memref_slice %arg10[%add3A_78, %dma_wait3A_95] : memref<125x80xi32, #tpu.memory_space<vmem>> -> memref<1x80xi32, #tpu.memory_space<vmem>>
      %dma_wait3A_97 = tpu.memref_squeeze %dma_wait3A_96 : memref<1x80xi32, #tpu.memory_space<vmem>> -> memref<80xi32, #tpu.memory_space<vmem>>
      %dma_wait3A_98 = arith.constant 0 : i32
      %dma_wait3A_99 = arith.constant 0 : i32
      %dma_wait3A_100 = tpu.memref_slice %arg17[%dma_wait3A_98, %dma_wait3A_99] : memref<10000x128xf32, #tpu.memory_space<vmem_shared>> -> memref<10000x128xf32, #tpu.memory_space<vmem_shared>>
      tpu.wait_indirect_dma semaphore(%arg15 : memref<!tpu.dma_semaphore, #tpu.memory_space<semaphore_mem>>) src(%arg11 : memref<80x128xf32, #tpu.memory_space<vmem>>) dst(%dma_wait3A_100 : memref<10000x128xf32, #tpu.memory_space<vmem_shared>>)
      %dma_wait3A_101 = arith.constant 0 : i32
      %dma_wait3A_102 = tpu.memref_slice %arg10[%add3A_88, %dma_wait3A_101] : memref<125x80xi32, #tpu.memory_space<vmem>> -> memref<1x80xi32, #tpu.memory_space<vmem>>
      %dma_wait3A_103 = tpu.memref_squeeze %dma_wait3A_102 : memref<1x80xi32, #tpu.memory_space<vmem>> -> memref<80xi32, #tpu.memory_space<vmem>>
      %dma_wait3A_104 = arith.constant 0 : i32
      %dma_wait3A_105 = arith.constant 0 : i32
      %dma_wait3A_106 = tpu.memref_slice %arg17[%dma_wait3A_104, %dma_wait3A_105] : memref<10000x128xf32, #tpu.memory_space<vmem_shared>> -> memref<10000x128xf32, #tpu.memory_space<vmem_shared>>
      tpu.wait_indirect_dma semaphore(%arg16 : memref<!tpu.dma_semaphore, #tpu.memory_space<semaphore_mem>>) src(%arg11 : memref<80x128xf32, #tpu.memory_space<vmem>>) dst(%dma_wait3A_106 : memref<10000x128xf32, #tpu.memory_space<vmem_shared>>)
    }
    %scan3A_51 = arith.constant 62 : i32
    %dma_start3A_52 = arith.constant 124 : i32
    %dma_start3A_53 = arith.constant 0 : i32
    %dma_start3A_54 = tpu.memref_slice %arg10[%dma_start3A_52, %dma_start3A_53] : memref<125x80xi32, #tpu.memory_space<vmem>> -> memref<1x80xi32, #tpu.memory_space<vmem>>
    %dma_start3A_55 = tpu.memref_squeeze %dma_start3A_54 : memref<1x80xi32, #tpu.memory_space<vmem>> -> memref<80xi32, #tpu.memory_space<vmem>>
    %dma_start3A_56 = arith.constant 0 : i32
    %dma_start3A_57 = arith.constant 0 : i32
    %dma_start3A_58 = tpu.memref_slice %arg17[%dma_start3A_56, %dma_start3A_57] : memref<10000x128xf32, #tpu.memory_space<vmem_shared>> -> memref<10000x128xf32, #tpu.memory_space<vmem_shared>>
    tpu.enqueue_indirect_dma source(%arg11 : memref<80x128xf32, #tpu.memory_space<vmem>>) target(%dma_start3A_58 : memref<10000x128xf32, #tpu.memory_space<vmem_shared>>) offsets(%dma_start3A_55 : memref<80xi32, #tpu.memory_space<vmem>>) semaphore(%arg15 : memref<!tpu.dma_semaphore, #tpu.memory_space<semaphore_mem>>) {add = true}
    %dma_wait3A_59 = arith.constant 124 : i32
    %dma_wait3A_60 = arith.constant 0 : i32
    %dma_wait3A_61 = tpu.memref_slice %arg10[%dma_wait3A_59, %dma_wait3A_60] : memref<125x80xi32, #tpu.memory_space<vmem>> -> memref<1x80xi32, #tpu.memory_space<vmem>>
    %dma_wait3A_62 = tpu.memref_squeeze %dma_wait3A_61 : memref<1x80xi32, #tpu.memory_space<vmem>> -> memref<80xi32, #tpu.memory_space<vmem>>
    %dma_wait3A_63 = arith.constant 0 : i32
    %dma_wait3A_64 = arith.constant 0 : i32
    %dma_wait3A_65 = tpu.memref_slice %arg17[%dma_wait3A_63, %dma_wait3A_64] : memref<10000x128xf32, #tpu.memory_space<vmem_shared>> -> memref<10000x128xf32, #tpu.memory_space<vmem_shared>>
    tpu.wait_indirect_dma semaphore(%arg15 : memref<!tpu.dma_semaphore, #tpu.memory_space<semaphore_mem>>) src(%arg11 : memref<80x128xf32, #tpu.memory_space<vmem>>) dst(%dma_wait3A_65 : memref<10000x128xf32, #tpu.memory_space<vmem_shared>>)
    %barrier3A_66 = arith.constant 0 : index
    tpu.barrier barrier_id(%barrier3A_66)
    %mul3A_67 = arith.constant 624 : i32
    %mul3A_68 = arith.muli %arg1, %mul3A_67 : i32
    %mul3A_69 = arith.constant 10000 : i32
    %mul3A_70 = arith.muli %arg0, %mul3A_69 : i32
    %mul3A_71 = arith.constant 624 : i32
    %mul3A_72 = arith.muli %arg1, %mul3A_71 : i32
    %add3A_73 = arith.addi %mul3A_70, %mul3A_72 : i32
    "tpu.region"() ({
      %run_scoped3A = tpu.sem_alloc : memref<!tpu.dma_semaphore, #tpu.memory_space<semaphore_mem>>
      %dma_start3A_74 = arith.constant 0 : i32
      %dma_start3A_75 = tpu.memref_slice %arg8[%add3A_73, %dma_start3A_74] : memref<20000x128xf32, #tpu.memory_space<hbm>> -> memref<640x128xf32, #tpu.memory_space<hbm>>
      %dma_start3A_76 = arith.constant 0 : i32
      %dma_start3A_77 = tpu.memref_slice %arg17[%mul3A_68, %dma_start3A_76] : memref<10000x128xf32, #tpu.memory_space<vmem_shared>> -> memref<640x128xf32, #tpu.memory_space<vmem_shared>>
      tpu.enqueue_dma source(%dma_start3A_77 : memref<640x128xf32, #tpu.memory_space<vmem_shared>>) target(%dma_start3A_75 : memref<640x128xf32, #tpu.memory_space<hbm>>) target_semaphore(%run_scoped3A : memref<!tpu.dma_semaphore, #tpu.memory_space<semaphore_mem>>)
      %dma_wait3A_78 = arith.constant 0 : i32
      %dma_wait3A_79 = tpu.memref_slice %arg8[%add3A_73, %dma_wait3A_78] : memref<20000x128xf32, #tpu.memory_space<hbm>> -> memref<640x128xf32, #tpu.memory_space<hbm>>
      %dma_wait3A_80 = arith.constant 0 : i32
      %dma_wait3A_81 = tpu.memref_slice %arg17[%mul3A_68, %dma_wait3A_80] : memref<10000x128xf32, #tpu.memory_space<vmem_shared>> -> memref<640x128xf32, #tpu.memory_space<vmem_shared>>
      tpu.wait_dma2 semaphore(%run_scoped3A : memref<!tpu.dma_semaphore, #tpu.memory_space<semaphore_mem>>) src(%dma_wait3A_81 : memref<640x128xf32, #tpu.memory_space<vmem_shared>>) dst(%dma_wait3A_79 : memref<640x128xf32, #tpu.memory_space<hbm>>)
      tpu.yield
    }) : () -> ()
    return
  }
}

#map = affine_map<(d0, d1) -> (0, 0)>
#map1 = affine_map<(d0, d1) -> (0)>
#map2 = affine_map<(d0, d1) -> (0, 0, 0)>
module attributes {stable_mosaic.version = 14 : i64} {
  func.func @_sc_agg_body(%arg0: i32, %arg1: i32, %arg2: memref<10000x128xf32, #tpu.memory_space<hbm>>, %arg3: memref<320000xi32, #tpu.memory_space<hbm>>, %arg4: memref<32x125x80xi32, #tpu.memory_space<hbm>>, %arg5: memref<10000x128xf32, #tpu.memory_space<hbm>>, %arg6: memref<20000x128xf32, #tpu.memory_space<hbm>>, %arg7: memref<10000xi32, #tpu.memory_space<vmem>>, %arg8: memref<125x80xi32, #tpu.memory_space<vmem>>, %arg9: memref<80x128xf32, #tpu.memory_space<vmem>>, %arg10: memref<80x128xf32, #tpu.memory_space<vmem>>, %arg11: memref<!tpu.dma_semaphore, #tpu.memory_space<semaphore_mem>>, %arg12: memref<!tpu.dma_semaphore, #tpu.memory_space<semaphore_mem>>, %arg13: memref<!tpu.dma_semaphore, #tpu.memory_space<semaphore_mem>>, %arg14: memref<!tpu.dma_semaphore, #tpu.memory_space<semaphore_mem>>, %arg15: memref<10000x128xf32, #tpu.memory_space<vmem_shared>>) attributes {dimension_semantics = [#tpu.dimension_semantics<core_parallel>, #tpu.dimension_semantics<subcore_parallel>], iteration_bounds = array<i64: 2, 16>, scalar_prefetch = 0 : i64, scratch_operands = 9 : i64, tpu.core_type = #tpu.core_type<sc_vector_subcore>, window_params = [{transform_indices = #map}, {transform_indices = #map1}, {transform_indices = #map2}, {transform_indices = #map}, {transform_indices = #map}]} {
    %mul3A = arith.constant 2 : i32
    %mul3A_0 = arith.muli %arg1, %mul3A : i32
    %add3A = arith.addi %mul3A_0, %arg0 : i32
    %mul3A_1 = arith.constant 624 : i32
    %mul3A_2 = arith.muli %arg1, %mul3A_1 : i32
    %mul3A_3 = arith.constant 624 : i32
    %mul3A_4 = arith.muli %arg1, %mul3A_3 : i32
    "tpu.region"() ({
      %run_scoped3A = tpu.sem_alloc : memref<!tpu.dma_semaphore, #tpu.memory_space<semaphore_mem>>
      %dma_start3A_41 = arith.constant 0 : i32
      %dma_start3A_42 = tpu.memref_slice %arg15[%mul3A_4, %dma_start3A_41] : memref<10000x128xf32, #tpu.memory_space<vmem_shared>> -> memref<640x128xf32, #tpu.memory_space<vmem_shared>>
      %dma_start3A_43 = arith.constant 0 : i32
      %dma_start3A_44 = tpu.memref_slice %arg5[%mul3A_2, %dma_start3A_43] : memref<10000x128xf32, #tpu.memory_space<hbm>> -> memref<640x128xf32, #tpu.memory_space<hbm>>
      tpu.enqueue_dma source(%dma_start3A_44 : memref<640x128xf32, #tpu.memory_space<hbm>>) target(%dma_start3A_42 : memref<640x128xf32, #tpu.memory_space<vmem_shared>>) target_semaphore(%run_scoped3A : memref<!tpu.dma_semaphore, #tpu.memory_space<semaphore_mem>>)
      %dma_wait3A_45 = arith.constant 0 : i32
      %dma_wait3A_46 = tpu.memref_slice %arg15[%mul3A_4, %dma_wait3A_45] : memref<10000x128xf32, #tpu.memory_space<vmem_shared>> -> memref<640x128xf32, #tpu.memory_space<vmem_shared>>
      %dma_wait3A_47 = arith.constant 0 : i32
      %dma_wait3A_48 = tpu.memref_slice %arg5[%mul3A_2, %dma_wait3A_47] : memref<10000x128xf32, #tpu.memory_space<hbm>> -> memref<640x128xf32, #tpu.memory_space<hbm>>
      tpu.wait_dma2 semaphore(%run_scoped3A : memref<!tpu.dma_semaphore, #tpu.memory_space<semaphore_mem>>) src(%dma_wait3A_48 : memref<640x128xf32, #tpu.memory_space<hbm>>) dst(%dma_wait3A_46 : memref<640x128xf32, #tpu.memory_space<vmem_shared>>)
      tpu.yield
    }) : () -> ()
    %mul3A_5 = arith.constant 10000 : i32
    %mul3A_6 = arith.muli %add3A, %mul3A_5 : i32
    "tpu.region"() ({
      %run_scoped3A = tpu.sem_alloc : memref<!tpu.dma_semaphore, #tpu.memory_space<semaphore_mem>>
      %dma_start3A_41 = tpu.memref_slice %arg3[%mul3A_6] : memref<320000xi32, #tpu.memory_space<hbm>> -> memref<10000xi32, #tpu.memory_space<hbm>>
      %dma_start3A_42 = tpu.memref_slice %arg3[%mul3A_6] : memref<320000xi32, #tpu.memory_space<hbm>> -> memref<10000xi32, #tpu.memory_space<hbm>>
      tpu.enqueue_dma source(%dma_start3A_42 : memref<10000xi32, #tpu.memory_space<hbm>>) target(%arg7 : memref<10000xi32, #tpu.memory_space<vmem>>) target_semaphore(%run_scoped3A : memref<!tpu.dma_semaphore, #tpu.memory_space<semaphore_mem>>)
      %dma_wait3A_43 = tpu.memref_slice %arg3[%mul3A_6] : memref<320000xi32, #tpu.memory_space<hbm>> -> memref<10000xi32, #tpu.memory_space<hbm>>
      %dma_wait3A_44 = tpu.memref_slice %arg3[%mul3A_6] : memref<320000xi32, #tpu.memory_space<hbm>> -> memref<10000xi32, #tpu.memory_space<hbm>>
      tpu.wait_dma2 semaphore(%run_scoped3A : memref<!tpu.dma_semaphore, #tpu.memory_space<semaphore_mem>>) src(%dma_wait3A_44 : memref<10000xi32, #tpu.memory_space<hbm>>) dst(%arg7 : memref<10000xi32, #tpu.memory_space<vmem>>)
      tpu.yield
    }) : () -> ()
    "tpu.region"() ({
      %run_scoped3A = tpu.sem_alloc : memref<!tpu.dma_semaphore, #tpu.memory_space<semaphore_mem>>
      %dma_start3A_41 = arith.constant 0 : i32
      %dma_start3A_42 = arith.constant 0 : i32
      %dma_start3A_43 = tpu.memref_slice %arg4[%add3A, %dma_start3A_41, %dma_start3A_42] : memref<32x125x80xi32, #tpu.memory_space<hbm>> -> memref<1x125x80xi32, #tpu.memory_space<hbm>>
      %dma_start3A_44 = tpu.memref_squeeze %dma_start3A_43 : memref<1x125x80xi32, #tpu.memory_space<hbm>> -> memref<125x80xi32, #tpu.memory_space<hbm>>
      %dma_start3A_45 = arith.constant 0 : i32
      %dma_start3A_46 = arith.constant 0 : i32
      %dma_start3A_47 = tpu.memref_slice %arg4[%add3A, %dma_start3A_45, %dma_start3A_46] : memref<32x125x80xi32, #tpu.memory_space<hbm>> -> memref<1x125x80xi32, #tpu.memory_space<hbm>>
      %dma_start3A_48 = tpu.memref_squeeze %dma_start3A_47 : memref<1x125x80xi32, #tpu.memory_space<hbm>> -> memref<125x80xi32, #tpu.memory_space<hbm>>
      tpu.enqueue_dma source(%dma_start3A_48 : memref<125x80xi32, #tpu.memory_space<hbm>>) target(%arg8 : memref<125x80xi32, #tpu.memory_space<vmem>>) target_semaphore(%run_scoped3A : memref<!tpu.dma_semaphore, #tpu.memory_space<semaphore_mem>>)
      %dma_wait3A_49 = arith.constant 0 : i32
      %dma_wait3A_50 = arith.constant 0 : i32
      %dma_wait3A_51 = tpu.memref_slice %arg4[%add3A, %dma_wait3A_49, %dma_wait3A_50] : memref<32x125x80xi32, #tpu.memory_space<hbm>> -> memref<1x125x80xi32, #tpu.memory_space<hbm>>
      %dma_wait3A_52 = tpu.memref_squeeze %dma_wait3A_51 : memref<1x125x80xi32, #tpu.memory_space<hbm>> -> memref<125x80xi32, #tpu.memory_space<hbm>>
      %dma_wait3A_53 = arith.constant 0 : i32
      %dma_wait3A_54 = arith.constant 0 : i32
      %dma_wait3A_55 = tpu.memref_slice %arg4[%add3A, %dma_wait3A_53, %dma_wait3A_54] : memref<32x125x80xi32, #tpu.memory_space<hbm>> -> memref<1x125x80xi32, #tpu.memory_space<hbm>>
      %dma_wait3A_56 = tpu.memref_squeeze %dma_wait3A_55 : memref<1x125x80xi32, #tpu.memory_space<hbm>> -> memref<125x80xi32, #tpu.memory_space<hbm>>
      tpu.wait_dma2 semaphore(%run_scoped3A : memref<!tpu.dma_semaphore, #tpu.memory_space<semaphore_mem>>) src(%dma_wait3A_56 : memref<125x80xi32, #tpu.memory_space<hbm>>) dst(%arg8 : memref<125x80xi32, #tpu.memory_space<vmem>>)
      tpu.yield
    }) : () -> ()
    %barrier3A = arith.constant 0 : index
    tpu.barrier barrier_id(%barrier3A)
    %scan3A = arith.constant 0 : i32
    %scan3A_7 = arith.constant 62 : i32
    %scan3A_8 = arith.addi %scan3A, %scan3A_7 : i32
    %scan3A_9 = arith.constant 1 : i32
    scf.for %scan3A_41 = %scan3A to %scan3A_8 step %scan3A_9  : i32 {
      %mul3A_42 = arith.constant 2 : i32
      %mul3A_43 = arith.muli %scan3A_41, %mul3A_42 : i32
      %add3A_44 = arith.constant 0 : i32
      %add3A_45 = arith.addi %mul3A_43, %add3A_44 : i32
      %mul3A_46 = arith.constant 80 : i32
      %mul3A_47 = arith.muli %add3A_45, %mul3A_46 : i32
      %dma_start3A_48 = tpu.memref_slice %arg7[%mul3A_47] : memref<10000xi32, #tpu.memory_space<vmem>> -> memref<80xi32, #tpu.memory_space<vmem>>
      %dma_start3A_49 = arith.constant 0 : i32
      %dma_start3A_50 = arith.constant 0 : i32
      %dma_start3A_51 = tpu.memref_slice %arg2[%dma_start3A_49, %dma_start3A_50] : memref<10000x128xf32, #tpu.memory_space<hbm>> -> memref<10000x128xf32, #tpu.memory_space<hbm>>
      tpu.enqueue_indirect_dma source(%dma_start3A_51 : memref<10000x128xf32, #tpu.memory_space<hbm>>) target(%arg9 : memref<80x128xf32, #tpu.memory_space<vmem>>) offsets(%dma_start3A_48 : memref<80xi32, #tpu.memory_space<vmem>>) semaphore(%arg11 : memref<!tpu.dma_semaphore, #tpu.memory_space<semaphore_mem>>)
      %mul3A_52 = arith.constant 2 : i32
      %mul3A_53 = arith.muli %scan3A_41, %mul3A_52 : i32
      %add3A_54 = arith.constant 1 : i32
      %add3A_55 = arith.addi %mul3A_53, %add3A_54 : i32
      %mul3A_56 = arith.constant 80 : i32
      %mul3A_57 = arith.muli %add3A_55, %mul3A_56 : i32
      %dma_start3A_58 = tpu.memref_slice %arg7[%mul3A_57] : memref<10000xi32, #tpu.memory_space<vmem>> -> memref<80xi32, #tpu.memory_space<vmem>>
      %dma_start3A_59 = arith.constant 0 : i32
      %dma_start3A_60 = arith.constant 0 : i32
      %dma_start3A_61 = tpu.memref_slice %arg2[%dma_start3A_59, %dma_start3A_60] : memref<10000x128xf32, #tpu.memory_space<hbm>> -> memref<10000x128xf32, #tpu.memory_space<hbm>>
      tpu.enqueue_indirect_dma source(%dma_start3A_61 : memref<10000x128xf32, #tpu.memory_space<hbm>>) target(%arg10 : memref<80x128xf32, #tpu.memory_space<vmem>>) offsets(%dma_start3A_58 : memref<80xi32, #tpu.memory_space<vmem>>) semaphore(%arg12 : memref<!tpu.dma_semaphore, #tpu.memory_space<semaphore_mem>>)
      %mul3A_62 = arith.constant 2 : i32
      %mul3A_63 = arith.muli %scan3A_41, %mul3A_62 : i32
      %add3A_64 = arith.constant 0 : i32
      %add3A_65 = arith.addi %mul3A_63, %add3A_64 : i32
      %dma_wait3A_66 = tpu.memref_slice %arg7[%mul3A_47] : memref<10000xi32, #tpu.memory_space<vmem>> -> memref<80xi32, #tpu.memory_space<vmem>>
      %dma_wait3A_67 = arith.constant 0 : i32
      %dma_wait3A_68 = arith.constant 0 : i32
      %dma_wait3A_69 = tpu.memref_slice %arg2[%dma_wait3A_67, %dma_wait3A_68] : memref<10000x128xf32, #tpu.memory_space<hbm>> -> memref<10000x128xf32, #tpu.memory_space<hbm>>
      tpu.wait_indirect_dma semaphore(%arg11 : memref<!tpu.dma_semaphore, #tpu.memory_space<semaphore_mem>>) src(%dma_wait3A_69 : memref<10000x128xf32, #tpu.memory_space<hbm>>) dst(%arg9 : memref<80x128xf32, #tpu.memory_space<vmem>>)
      %dma_start3A_70 = arith.constant 0 : i32
      %dma_start3A_71 = tpu.memref_slice %arg8[%add3A_65, %dma_start3A_70] : memref<125x80xi32, #tpu.memory_space<vmem>> -> memref<1x80xi32, #tpu.memory_space<vmem>>
      %dma_start3A_72 = tpu.memref_squeeze %dma_start3A_71 : memref<1x80xi32, #tpu.memory_space<vmem>> -> memref<80xi32, #tpu.memory_space<vmem>>
      %dma_start3A_73 = arith.constant 0 : i32
      %dma_start3A_74 = arith.constant 0 : i32
      %dma_start3A_75 = tpu.memref_slice %arg15[%dma_start3A_73, %dma_start3A_74] : memref<10000x128xf32, #tpu.memory_space<vmem_shared>> -> memref<10000x128xf32, #tpu.memory_space<vmem_shared>>
      tpu.enqueue_indirect_dma source(%arg9 : memref<80x128xf32, #tpu.memory_space<vmem>>) target(%dma_start3A_75 : memref<10000x128xf32, #tpu.memory_space<vmem_shared>>) offsets(%dma_start3A_72 : memref<80xi32, #tpu.memory_space<vmem>>) semaphore(%arg13 : memref<!tpu.dma_semaphore, #tpu.memory_space<semaphore_mem>>) {add = true}
      %mul3A_76 = arith.constant 2 : i32
      %mul3A_77 = arith.muli %scan3A_41, %mul3A_76 : i32
      %add3A_78 = arith.constant 1 : i32
      %add3A_79 = arith.addi %mul3A_77, %add3A_78 : i32
      %dma_wait3A_80 = tpu.memref_slice %arg7[%mul3A_57] : memref<10000xi32, #tpu.memory_space<vmem>> -> memref<80xi32, #tpu.memory_space<vmem>>
      %dma_wait3A_81 = arith.constant 0 : i32
      %dma_wait3A_82 = arith.constant 0 : i32
      %dma_wait3A_83 = tpu.memref_slice %arg2[%dma_wait3A_81, %dma_wait3A_82] : memref<10000x128xf32, #tpu.memory_space<hbm>> -> memref<10000x128xf32, #tpu.memory_space<hbm>>
      tpu.wait_indirect_dma semaphore(%arg12 : memref<!tpu.dma_semaphore, #tpu.memory_space<semaphore_mem>>) src(%dma_wait3A_83 : memref<10000x128xf32, #tpu.memory_space<hbm>>) dst(%arg10 : memref<80x128xf32, #tpu.memory_space<vmem>>)
      %dma_start3A_84 = arith.constant 0 : i32
      %dma_start3A_85 = tpu.memref_slice %arg8[%add3A_79, %dma_start3A_84] : memref<125x80xi32, #tpu.memory_space<vmem>> -> memref<1x80xi32, #tpu.memory_space<vmem>>
      %dma_start3A_86 = tpu.memref_squeeze %dma_start3A_85 : memref<1x80xi32, #tpu.memory_space<vmem>> -> memref<80xi32, #tpu.memory_space<vmem>>
      %dma_start3A_87 = arith.constant 0 : i32
      %dma_start3A_88 = arith.constant 0 : i32
      %dma_start3A_89 = tpu.memref_slice %arg15[%dma_start3A_87, %dma_start3A_88] : memref<10000x128xf32, #tpu.memory_space<vmem_shared>> -> memref<10000x128xf32, #tpu.memory_space<vmem_shared>>
      tpu.enqueue_indirect_dma source(%arg10 : memref<80x128xf32, #tpu.memory_space<vmem>>) target(%dma_start3A_89 : memref<10000x128xf32, #tpu.memory_space<vmem_shared>>) offsets(%dma_start3A_86 : memref<80xi32, #tpu.memory_space<vmem>>) semaphore(%arg14 : memref<!tpu.dma_semaphore, #tpu.memory_space<semaphore_mem>>) {add = true}
      %dma_wait3A_90 = arith.constant 0 : i32
      %dma_wait3A_91 = tpu.memref_slice %arg8[%add3A_65, %dma_wait3A_90] : memref<125x80xi32, #tpu.memory_space<vmem>> -> memref<1x80xi32, #tpu.memory_space<vmem>>
      %dma_wait3A_92 = tpu.memref_squeeze %dma_wait3A_91 : memref<1x80xi32, #tpu.memory_space<vmem>> -> memref<80xi32, #tpu.memory_space<vmem>>
      %dma_wait3A_93 = arith.constant 0 : i32
      %dma_wait3A_94 = arith.constant 0 : i32
      %dma_wait3A_95 = tpu.memref_slice %arg15[%dma_wait3A_93, %dma_wait3A_94] : memref<10000x128xf32, #tpu.memory_space<vmem_shared>> -> memref<10000x128xf32, #tpu.memory_space<vmem_shared>>
      tpu.wait_indirect_dma semaphore(%arg13 : memref<!tpu.dma_semaphore, #tpu.memory_space<semaphore_mem>>) src(%arg9 : memref<80x128xf32, #tpu.memory_space<vmem>>) dst(%dma_wait3A_95 : memref<10000x128xf32, #tpu.memory_space<vmem_shared>>)
      %dma_wait3A_96 = arith.constant 0 : i32
      %dma_wait3A_97 = tpu.memref_slice %arg8[%add3A_79, %dma_wait3A_96] : memref<125x80xi32, #tpu.memory_space<vmem>> -> memref<1x80xi32, #tpu.memory_space<vmem>>
      %dma_wait3A_98 = tpu.memref_squeeze %dma_wait3A_97 : memref<1x80xi32, #tpu.memory_space<vmem>> -> memref<80xi32, #tpu.memory_space<vmem>>
      %dma_wait3A_99 = arith.constant 0 : i32
      %dma_wait3A_100 = arith.constant 0 : i32
      %dma_wait3A_101 = tpu.memref_slice %arg15[%dma_wait3A_99, %dma_wait3A_100] : memref<10000x128xf32, #tpu.memory_space<vmem_shared>> -> memref<10000x128xf32, #tpu.memory_space<vmem_shared>>
      tpu.wait_indirect_dma semaphore(%arg14 : memref<!tpu.dma_semaphore, #tpu.memory_space<semaphore_mem>>) src(%arg10 : memref<80x128xf32, #tpu.memory_space<vmem>>) dst(%dma_wait3A_101 : memref<10000x128xf32, #tpu.memory_space<vmem_shared>>)
    }
    %scan3A_10 = arith.constant 62 : i32
    %dma_start3A = arith.constant 9920 : i32
    %dma_start3A_11 = tpu.memref_slice %arg7[%dma_start3A] : memref<10000xi32, #tpu.memory_space<vmem>> -> memref<80xi32, #tpu.memory_space<vmem>>
    %dma_start3A_12 = arith.constant 0 : i32
    %dma_start3A_13 = arith.constant 0 : i32
    %dma_start3A_14 = tpu.memref_slice %arg2[%dma_start3A_12, %dma_start3A_13] : memref<10000x128xf32, #tpu.memory_space<hbm>> -> memref<10000x128xf32, #tpu.memory_space<hbm>>
    tpu.enqueue_indirect_dma source(%dma_start3A_14 : memref<10000x128xf32, #tpu.memory_space<hbm>>) target(%arg9 : memref<80x128xf32, #tpu.memory_space<vmem>>) offsets(%dma_start3A_11 : memref<80xi32, #tpu.memory_space<vmem>>) semaphore(%arg11 : memref<!tpu.dma_semaphore, #tpu.memory_space<semaphore_mem>>)
    %dma_wait3A = arith.constant 9920 : i32
    %dma_wait3A_15 = tpu.memref_slice %arg7[%dma_wait3A] : memref<10000xi32, #tpu.memory_space<vmem>> -> memref<80xi32, #tpu.memory_space<vmem>>
    %dma_wait3A_16 = arith.constant 0 : i32
    %dma_wait3A_17 = arith.constant 0 : i32
    %dma_wait3A_18 = tpu.memref_slice %arg2[%dma_wait3A_16, %dma_wait3A_17] : memref<10000x128xf32, #tpu.memory_space<hbm>> -> memref<10000x128xf32, #tpu.memory_space<hbm>>
    tpu.wait_indirect_dma semaphore(%arg11 : memref<!tpu.dma_semaphore, #tpu.memory_space<semaphore_mem>>) src(%dma_wait3A_18 : memref<10000x128xf32, #tpu.memory_space<hbm>>) dst(%arg9 : memref<80x128xf32, #tpu.memory_space<vmem>>)
    %dma_start3A_19 = arith.constant 124 : i32
    %dma_start3A_20 = arith.constant 0 : i32
    %dma_start3A_21 = tpu.memref_slice %arg8[%dma_start3A_19, %dma_start3A_20] : memref<125x80xi32, #tpu.memory_space<vmem>> -> memref<1x80xi32, #tpu.memory_space<vmem>>
    %dma_start3A_22 = tpu.memref_squeeze %dma_start3A_21 : memref<1x80xi32, #tpu.memory_space<vmem>> -> memref<80xi32, #tpu.memory_space<vmem>>
    %dma_start3A_23 = arith.constant 0 : i32
    %dma_start3A_24 = arith.constant 0 : i32
    %dma_start3A_25 = tpu.memref_slice %arg15[%dma_start3A_23, %dma_start3A_24] : memref<10000x128xf32, #tpu.memory_space<vmem_shared>> -> memref<10000x128xf32, #tpu.memory_space<vmem_shared>>
    tpu.enqueue_indirect_dma source(%arg9 : memref<80x128xf32, #tpu.memory_space<vmem>>) target(%dma_start3A_25 : memref<10000x128xf32, #tpu.memory_space<vmem_shared>>) offsets(%dma_start3A_22 : memref<80xi32, #tpu.memory_space<vmem>>) semaphore(%arg13 : memref<!tpu.dma_semaphore, #tpu.memory_space<semaphore_mem>>) {add = true}
    %dma_wait3A_26 = arith.constant 124 : i32
    %dma_wait3A_27 = arith.constant 0 : i32
    %dma_wait3A_28 = tpu.memref_slice %arg8[%dma_wait3A_26, %dma_wait3A_27] : memref<125x80xi32, #tpu.memory_space<vmem>> -> memref<1x80xi32, #tpu.memory_space<vmem>>
    %dma_wait3A_29 = tpu.memref_squeeze %dma_wait3A_28 : memref<1x80xi32, #tpu.memory_space<vmem>> -> memref<80xi32, #tpu.memory_space<vmem>>
    %dma_wait3A_30 = arith.constant 0 : i32
    %dma_wait3A_31 = arith.constant 0 : i32
    %dma_wait3A_32 = tpu.memref_slice %arg15[%dma_wait3A_30, %dma_wait3A_31] : memref<10000x128xf32, #tpu.memory_space<vmem_shared>> -> memref<10000x128xf32, #tpu.memory_space<vmem_shared>>
    tpu.wait_indirect_dma semaphore(%arg13 : memref<!tpu.dma_semaphore, #tpu.memory_space<semaphore_mem>>) src(%arg9 : memref<80x128xf32, #tpu.memory_space<vmem>>) dst(%dma_wait3A_32 : memref<10000x128xf32, #tpu.memory_space<vmem_shared>>)
    %barrier3A_33 = arith.constant 0 : index
    tpu.barrier barrier_id(%barrier3A_33)
    %mul3A_34 = arith.constant 624 : i32
    %mul3A_35 = arith.muli %arg1, %mul3A_34 : i32
    %mul3A_36 = arith.constant 10000 : i32
    %mul3A_37 = arith.muli %arg0, %mul3A_36 : i32
    %mul3A_38 = arith.constant 624 : i32
    %mul3A_39 = arith.muli %arg1, %mul3A_38 : i32
    %add3A_40 = arith.addi %mul3A_37, %mul3A_39 : i32
    "tpu.region"() ({
      %run_scoped3A = tpu.sem_alloc : memref<!tpu.dma_semaphore, #tpu.memory_space<semaphore_mem>>
      %dma_start3A_41 = arith.constant 0 : i32
      %dma_start3A_42 = tpu.memref_slice %arg6[%add3A_40, %dma_start3A_41] : memref<20000x128xf32, #tpu.memory_space<hbm>> -> memref<640x128xf32, #tpu.memory_space<hbm>>
      %dma_start3A_43 = arith.constant 0 : i32
      %dma_start3A_44 = tpu.memref_slice %arg15[%mul3A_35, %dma_start3A_43] : memref<10000x128xf32, #tpu.memory_space<vmem_shared>> -> memref<640x128xf32, #tpu.memory_space<vmem_shared>>
      tpu.enqueue_dma source(%dma_start3A_44 : memref<640x128xf32, #tpu.memory_space<vmem_shared>>) target(%dma_start3A_42 : memref<640x128xf32, #tpu.memory_space<hbm>>) target_semaphore(%run_scoped3A : memref<!tpu.dma_semaphore, #tpu.memory_space<semaphore_mem>>)
      %dma_wait3A_45 = arith.constant 0 : i32
      %dma_wait3A_46 = tpu.memref_slice %arg6[%add3A_40, %dma_wait3A_45] : memref<20000x128xf32, #tpu.memory_space<hbm>> -> memref<640x128xf32, #tpu.memory_space<hbm>>
      %dma_wait3A_47 = arith.constant 0 : i32
      %dma_wait3A_48 = tpu.memref_slice %arg15[%mul3A_35, %dma_wait3A_47] : memref<10000x128xf32, #tpu.memory_space<vmem_shared>> -> memref<640x128xf32, #tpu.memory_space<vmem_shared>>
      tpu.wait_dma2 semaphore(%run_scoped3A : memref<!tpu.dma_semaphore, #tpu.memory_space<semaphore_mem>>) src(%dma_wait3A_48 : memref<640x128xf32, #tpu.memory_space<vmem_shared>>) dst(%dma_wait3A_46 : memref<640x128xf32, #tpu.memory_space<hbm>>)
      tpu.yield
    }) : () -> ()
    return
  }
}

module attributes {stable_mosaic.version = 14 : i64} {
  func.func @_tc_y_body(%arg0: i32, %arg1: memref<1000x128xf32, #tpu.memory_space<vmem>>, %arg2: memref<1000x128xf32, #tpu.memory_space<vmem>>, %arg3: memref<1000x128xf32, #tpu.memory_space<vmem>>, %arg4: memref<1000x1xf32, #tpu.memory_space<vmem>>, %arg5: memref<1000x1xf32, #tpu.memory_space<vmem>>, %arg6: memref<128x128xf32, #tpu.memory_space<vmem>>, %arg7: memref<128x128xf32, #tpu.memory_space<vmem>>, %arg8: memref<128xf32, #tpu.memory_space<vmem>>, %arg9: memref<1000x128xf32, #tpu.memory_space<vmem>>) attributes {dimension_semantics = [#tpu.dimension_semantics<arbitrary>], iteration_bounds = array<i64: 10>, scalar_prefetch = 0 : i64, scratch_operands = 0 : i64, tpu.core_type = #tpu.core_type<tc>, window_params = [{transform_indices = @transform_0, window_bounds = array<i64: 1000, 128>}, {transform_indices = @transform_1, window_bounds = array<i64: 1000, 128>}, {transform_indices = @transform_2, window_bounds = array<i64: 1000, 128>}, {transform_indices = @transform_3, window_bounds = array<i64: 1000, 1>}, {transform_indices = @transform_4, window_bounds = array<i64: 1000, 1>}, {pipeline_mode = #tpu.pipeline_mode<synchronous>, transform_indices = @transform_5, window_bounds = array<i64: 128, 128>}, {pipeline_mode = #tpu.pipeline_mode<synchronous>, transform_indices = @transform_6, window_bounds = array<i64: 128, 128>}, {pipeline_mode = #tpu.pipeline_mode<synchronous>, transform_indices = @transform_7, window_bounds = array<i64: 128>}, {transform_indices = @transform_8, window_bounds = array<i64: 1000, 128>}]} {
    %get3A = arith.constant 0 : index
    %get3A_0 = arith.constant 0 : index
    %get3A_1 = vector.load %arg2[%get3A, %get3A_0] : memref<1000x128xf32, #tpu.memory_space<vmem>>, vector<1000x128xf32>
    %get3A_2 = arith.constant 0 : index
    %get3A_3 = arith.constant 0 : index
    %get3A_4 = vector.load %arg3[%get3A_2, %get3A_3] : memref<1000x128xf32, #tpu.memory_space<vmem>>, vector<1000x128xf32>
    %add3A = arith.addf %get3A_1, %get3A_4 : vector<1000x128xf32>
    %get3A_5 = arith.constant 0 : index
    %get3A_6 = arith.constant 0 : index
    %get3A_7 = vector.load %arg4[%get3A_5, %get3A_6] : memref<1000x1xf32, #tpu.memory_space<vmem>>, vector<1000x1xf32>
    %get3A_8 = arith.constant 0 : index
    %get3A_9 = arith.constant 0 : index
    %get3A_10 = vector.load %arg5[%get3A_8, %get3A_9] : memref<1000x1xf32, #tpu.memory_space<vmem>>, vector<1000x1xf32>
    %add3A_11 = arith.addf %get3A_7, %get3A_10 : vector<1000x1xf32>
    %max3A = arith.constant 1.000000e+00 : f32
    %max3A_12 = vector.broadcast %max3A : f32 to vector<1000x1xf32>
    %max3A_13 = arith.maximumf %add3A_11, %max3A_12 : vector<1000x1xf32>
    %div3A = vector.broadcast %max3A_13 : vector<1000x1xf32> to vector<1000x128xf32>
    %div3A_14 = arith.divf %add3A, %div3A : vector<1000x128xf32>
    %get3A_15 = arith.constant 0 : index
    %get3A_16 = arith.constant 0 : index
    %get3A_17 = vector.load %arg1[%get3A_15, %get3A_16] : memref<1000x128xf32, #tpu.memory_space<vmem>>, vector<1000x128xf32>
    %convert_element_type3A = arith.truncf %get3A_17 : vector<1000x128xf32> to vector<1000x128xbf16>
    %get3A_18 = arith.constant 0 : index
    %get3A_19 = arith.constant 0 : index
    %get3A_20 = vector.load %arg6[%get3A_18, %get3A_19] : memref<128x128xf32, #tpu.memory_space<vmem>>, vector<128x128xf32>
    %convert_element_type3A_21 = arith.truncf %get3A_20 : vector<128x128xf32> to vector<128x128xbf16>
    %dot_general3A = arith.constant dense<0.000000e+00> : vector<1000x128xf32>
    %dot_general3A_22 = tpu.matmul %convert_element_type3A, %convert_element_type3A_21, %dot_general3A {dimension_numbers = #tpu.dot_dimension_numbers<[1], [0], [0], [1], [0, 0, 1, 1], [], []>, transpose_lhs_hint = false} : vector<1000x128xbf16>, vector<128x128xbf16>, vector<1000x128xf32> -> vector<1000x128xf32>
    %convert_element_type3A_23 = arith.truncf %div3A_14 : vector<1000x128xf32> to vector<1000x128xbf16>
    %get3A_24 = arith.constant 0 : index
    %get3A_25 = arith.constant 0 : index
    %get3A_26 = vector.load %arg7[%get3A_24, %get3A_25] : memref<128x128xf32, #tpu.memory_space<vmem>>, vector<128x128xf32>
    %convert_element_type3A_27 = arith.truncf %get3A_26 : vector<128x128xf32> to vector<128x128xbf16>
    %dot_general3A_28 = arith.constant dense<0.000000e+00> : vector<1000x128xf32>
    %dot_general3A_29 = tpu.matmul %convert_element_type3A_23, %convert_element_type3A_27, %dot_general3A_28 {dimension_numbers = #tpu.dot_dimension_numbers<[1], [0], [0], [1], [0, 0, 1, 1], [], []>, transpose_lhs_hint = false} : vector<1000x128xbf16>, vector<128x128xbf16>, vector<1000x128xf32> -> vector<1000x128xf32>
    %add3A_30 = arith.addf %dot_general3A_22, %dot_general3A_29 : vector<1000x128xf32>
    %get3A_31 = arith.constant 0 : index
    %get3A_32 = vector.load %arg8[%get3A_31] : memref<128xf32, #tpu.memory_space<vmem>>, vector<128xf32>
    %broadcast_in_dim3A = vector.shape_cast %get3A_32 : vector<128xf32> to vector<1x128xf32>
    %add3A_33 = vector.broadcast %broadcast_in_dim3A : vector<1x128xf32> to vector<1000x128xf32>
    %add3A_34 = arith.addf %add3A_30, %add3A_33 : vector<1000x128xf32>
    %swap3A = arith.constant 0 : index
    %swap3A_35 = arith.constant 0 : index
    %swap3A_36 = vector.load %arg9[%swap3A, %swap3A_35] : memref<1000x128xf32, #tpu.memory_space<vmem>>, vector<1000x128xf32>
    tpu.vector_store %arg9[%swap3A, %swap3A_35], %add3A_34 {strides = array<i32>} : memref<1000x128xf32, #tpu.memory_space<vmem>>, vector<1000x128xf32>,
    return
  }
  func.func @transform_0(%arg0: i32) -> (i32, i32) {
    %c0_i32 = arith.constant 0 : i32
    %c0_i32_0 = arith.constant 0 : i32
    return %arg0, %c0_i32 : i32, i32
  }
  func.func @transform_1(%arg0: i32) -> (i32, i32) {
    %c0_i32 = arith.constant 0 : i32
    %c0_i32_0 = arith.constant 0 : i32
    return %arg0, %c0_i32 : i32, i32
  }
  func.func @transform_2(%arg0: i32) -> (i32, i32) {
    %add3A = arith.constant 10 : i32
    %add3A_0 = arith.addi %arg0, %add3A : i32
    %c0_i32 = arith.constant 0 : i32
    %c0_i32_1 = arith.constant 0 : i32
    return %add3A_0, %c0_i32 : i32, i32
  }
  func.func @transform_3(%arg0: i32) -> (i32, i32) {
    %c0_i32 = arith.constant 0 : i32
    %c0_i32_0 = arith.constant 0 : i32
    return %arg0, %c0_i32 : i32, i32
  }
  func.func @transform_4(%arg0: i32) -> (i32, i32) {
    %add3A = arith.constant 10 : i32
    %add3A_0 = arith.addi %arg0, %add3A : i32
    %c0_i32 = arith.constant 0 : i32
    %c0_i32_1 = arith.constant 0 : i32
    return %add3A_0, %c0_i32 : i32, i32
  }
  func.func @transform_5(%arg0: i32) -> (i32, i32) {
    %c0_i32 = arith.constant 0 : i32
    %c0_i32_0 = arith.constant 0 : i32
    %c0_i32_1 = arith.constant 0 : i32
    return %c0_i32, %c0_i32_0 : i32, i32
  }
  func.func @transform_6(%arg0: i32) -> (i32, i32) {
    %c0_i32 = arith.constant 0 : i32
    %c0_i32_0 = arith.constant 0 : i32
    %c0_i32_1 = arith.constant 0 : i32
    return %c0_i32, %c0_i32_0 : i32, i32
  }
  func.func @transform_7(%arg0: i32) -> i32 {
    %c0_i32 = arith.constant 0 : i32
    %c0_i32_0 = arith.constant 0 : i32
    return %c0_i32 : i32
  }
  func.func @transform_8(%arg0: i32) -> (i32, i32) {
    %c0_i32 = arith.constant 0 : i32
    %c0_i32_0 = arith.constant 0 : i32
    return %arg0, %c0_i32 : i32, i32
  }
}

module attributes {stable_mosaic.version = 14 : i64} {
  func.func @_tc_bn_body(%arg0: memref<10000x128xf32, #tpu.memory_space<vmem>>, %arg1: memref<128xf32, #tpu.memory_space<vmem>>, %arg2: memref<128xf32, #tpu.memory_space<vmem>>, %arg3: memref<10000x128xf32, #tpu.memory_space<vmem>>) attributes {dimension_semantics = [], scalar_prefetch = 0 : i64, scratch_operands = 0 : i64, tpu.core_type = #tpu.core_type<tc>} {
    %get3A = arith.constant 0 : index
    %get3A_0 = arith.constant 0 : index
    %get3A_1 = vector.load %arg0[%get3A, %get3A_0] : memref<10000x128xf32, #tpu.memory_space<vmem>>, vector<10000x128xf32>
    %reduce_sum3A = arith.constant dense<0.000000e+00> : vector<128xf32>
    %reduce_sum3A_2 = vector.multi_reduction <add>, %get3A_1, %reduce_sum3A [0] : vector<10000x128xf32> to vector<128xf32>
    %broadcast_in_dim3A = vector.shape_cast %reduce_sum3A_2 : vector<128xf32> to vector<1x128xf32>
    %div3A = arith.constant 1.000000e+04 : f32
    %div3A_3 = vector.broadcast %div3A : f32 to vector<1x128xf32>
    %div3A_4 = arith.divf %broadcast_in_dim3A, %div3A_3 : vector<1x128xf32>
    %sub3A = vector.broadcast %div3A_4 : vector<1x128xf32> to vector<10000x128xf32>
    %sub3A_5 = arith.subf %get3A_1, %sub3A : vector<10000x128xf32>
    %integer_pow3A = arith.mulf %sub3A_5, %sub3A_5 : vector<10000x128xf32>
    %reduce_sum3A_6 = arith.constant dense<0.000000e+00> : vector<128xf32>
    %reduce_sum3A_7 = vector.multi_reduction <add>, %integer_pow3A, %reduce_sum3A_6 [0] : vector<10000x128xf32> to vector<128xf32>
    %broadcast_in_dim3A_8 = vector.shape_cast %reduce_sum3A_7 : vector<128xf32> to vector<1x128xf32>
    %div3A_9 = arith.constant 1.000000e+04 : f32
    %div3A_10 = vector.broadcast %div3A_9 : f32 to vector<1x128xf32>
    %div3A_11 = arith.divf %broadcast_in_dim3A_8, %div3A_10 : vector<1x128xf32>
    %sub3A_12 = vector.broadcast %div3A_4 : vector<1x128xf32> to vector<10000x128xf32>
    %sub3A_13 = arith.subf %get3A_1, %sub3A_12 : vector<10000x128xf32>
    %add3A = arith.constant 9.99999974E-6 : f32
    %add3A_14 = vector.broadcast %add3A : f32 to vector<1x128xf32>
    %add3A_15 = arith.addf %div3A_11, %add3A_14 : vector<1x128xf32>
    %sqrt3A = math.sqrt %add3A_15 : vector<1x128xf32>
    %div3A_16 = vector.broadcast %sqrt3A : vector<1x128xf32> to vector<10000x128xf32>
    %div3A_17 = arith.divf %sub3A_13, %div3A_16 : vector<10000x128xf32>
    %get3A_18 = arith.constant 0 : index
    %get3A_19 = vector.load %arg1[%get3A_18] : memref<128xf32, #tpu.memory_space<vmem>>, vector<128xf32>
    %broadcast_in_dim3A_20 = vector.shape_cast %get3A_19 : vector<128xf32> to vector<1x128xf32>
    %mul3A = vector.broadcast %broadcast_in_dim3A_20 : vector<1x128xf32> to vector<10000x128xf32>
    %mul3A_21 = arith.mulf %div3A_17, %mul3A : vector<10000x128xf32>
    %get3A_22 = arith.constant 0 : index
    %get3A_23 = vector.load %arg2[%get3A_22] : memref<128xf32, #tpu.memory_space<vmem>>, vector<128xf32>
    %broadcast_in_dim3A_24 = vector.shape_cast %get3A_23 : vector<128xf32> to vector<1x128xf32>
    %add3A_25 = vector.broadcast %broadcast_in_dim3A_24 : vector<1x128xf32> to vector<10000x128xf32>
    %add3A_26 = arith.addf %mul3A_21, %add3A_25 : vector<10000x128xf32>
    %max3A = arith.constant 0.000000e+00 : f32
    %max3A_27 = vector.broadcast %max3A : f32 to vector<10000x128xf32>
    %max3A_28 = arith.maximumf %add3A_26, %max3A_27 : vector<10000x128xf32>
    %swap3A = arith.constant 0 : index
    %swap3A_29 = arith.constant 0 : index
    %swap3A_30 = vector.load %arg3[%swap3A, %swap3A_29] : memref<10000x128xf32, #tpu.memory_space<vmem>>, vector<10000x128xf32>
    tpu.vector_store %arg3[%swap3A, %swap3A_29], %max3A_28 {strides = array<i32>} : memref<10000x128xf32, #tpu.memory_space<vmem>>, vector<10000x128xf32>,
    return
  }
}

module attributes {stable_mosaic.version = 14 : i64} {
  func.func @_tc_head_body(%arg0: memref<10000x128xf32, #tpu.memory_space<vmem>>, %arg1: memref<128xf32, #tpu.memory_space<vmem>>, %arg2: memref<128xf32, #tpu.memory_space<vmem>>, %arg3: memref<10000xi32, #tpu.memory_space<vmem>>, %arg4: memref<128x128xf32, #tpu.memory_space<vmem>>, %arg5: memref<128xf32, #tpu.memory_space<vmem>>, %arg6: memref<128x128xf32, #tpu.memory_space<vmem>>, %arg7: memref<128xf32, #tpu.memory_space<vmem>>, %arg8: memref<128x128xf32, #tpu.memory_space<vmem>>, %arg9: memref<128xf32, #tpu.memory_space<vmem>>, %arg10: memref<128x128xf32, #tpu.memory_space<vmem>>, %arg11: memref<128xf32, #tpu.memory_space<vmem>>, %arg12: memref<128x1xf32, #tpu.memory_space<vmem>>, %arg13: memref<1xf32, #tpu.memory_space<vmem>>, %arg14: memref<100x1xf32, #tpu.memory_space<vmem>>) attributes {dimension_semantics = [], scalar_prefetch = 0 : i64, scratch_operands = 0 : i64, tpu.core_type = #tpu.core_type<tc>} {
    %get3A = arith.constant 0 : index
    %get3A_0 = arith.constant 0 : index
    %get3A_1 = vector.load %arg0[%get3A, %get3A_0] : memref<10000x128xf32, #tpu.memory_space<vmem>>, vector<10000x128xf32>
    %reduce_sum3A = arith.constant dense<0.000000e+00> : vector<128xf32>
    %reduce_sum3A_2 = vector.multi_reduction <add>, %get3A_1, %reduce_sum3A [0] : vector<10000x128xf32> to vector<128xf32>
    %broadcast_in_dim3A = vector.shape_cast %reduce_sum3A_2 : vector<128xf32> to vector<1x128xf32>
    %div3A = arith.constant 1.000000e+04 : f32
    %div3A_3 = vector.broadcast %div3A : f32 to vector<1x128xf32>
    %div3A_4 = arith.divf %broadcast_in_dim3A, %div3A_3 : vector<1x128xf32>
    %sub3A = vector.broadcast %div3A_4 : vector<1x128xf32> to vector<10000x128xf32>
    %sub3A_5 = arith.subf %get3A_1, %sub3A : vector<10000x128xf32>
    %integer_pow3A = arith.mulf %sub3A_5, %sub3A_5 : vector<10000x128xf32>
    %reduce_sum3A_6 = arith.constant dense<0.000000e+00> : vector<128xf32>
    %reduce_sum3A_7 = vector.multi_reduction <add>, %integer_pow3A, %reduce_sum3A_6 [0] : vector<10000x128xf32> to vector<128xf32>
    %broadcast_in_dim3A_8 = vector.shape_cast %reduce_sum3A_7 : vector<128xf32> to vector<1x128xf32>
    %div3A_9 = arith.constant 1.000000e+04 : f32
    %div3A_10 = vector.broadcast %div3A_9 : f32 to vector<1x128xf32>
    %div3A_11 = arith.divf %broadcast_in_dim3A_8, %div3A_10 : vector<1x128xf32>
    %sub3A_12 = vector.broadcast %div3A_4 : vector<1x128xf32> to vector<10000x128xf32>
    %sub3A_13 = arith.subf %get3A_1, %sub3A_12 : vector<10000x128xf32>
    %add3A = arith.constant 9.99999974E-6 : f32
    %add3A_14 = vector.broadcast %add3A : f32 to vector<1x128xf32>
    %add3A_15 = arith.addf %div3A_11, %add3A_14 : vector<1x128xf32>
    %sqrt3A = math.sqrt %add3A_15 : vector<1x128xf32>
    %div3A_16 = vector.broadcast %sqrt3A : vector<1x128xf32> to vector<10000x128xf32>
    %div3A_17 = arith.divf %sub3A_13, %div3A_16 : vector<10000x128xf32>
    %get3A_18 = arith.constant 0 : index
    %get3A_19 = vector.load %arg1[%get3A_18] : memref<128xf32, #tpu.memory_space<vmem>>, vector<128xf32>
    %broadcast_in_dim3A_20 = vector.shape_cast %get3A_19 : vector<128xf32> to vector<1x128xf32>
    %mul3A = vector.broadcast %broadcast_in_dim3A_20 : vector<1x128xf32> to vector<10000x128xf32>
    %mul3A_21 = arith.mulf %div3A_17, %mul3A : vector<10000x128xf32>
    %get3A_22 = arith.constant 0 : index
    %get3A_23 = vector.load %arg2[%get3A_22] : memref<128xf32, #tpu.memory_space<vmem>>, vector<128xf32>
    %broadcast_in_dim3A_24 = vector.shape_cast %get3A_23 : vector<128xf32> to vector<1x128xf32>
    %add3A_25 = vector.broadcast %broadcast_in_dim3A_24 : vector<1x128xf32> to vector<10000x128xf32>
    %add3A_26 = arith.addf %mul3A_21, %add3A_25 : vector<10000x128xf32>
    %max3A = arith.constant 0.000000e+00 : f32
    %max3A_27 = vector.broadcast %max3A : f32 to vector<10000x128xf32>
    %max3A_28 = arith.maximumf %add3A_26, %max3A_27 : vector<10000x128xf32>
    %iota3A = tpu.iota {dimensions = array<i32: 0>} : vector<100x10000xi32>
    %get3A_29 = arith.constant 0 : index
    %get3A_30 = vector.load %arg3[%get3A_29] : memref<10000xi32, #tpu.memory_space<vmem>>, vector<10000xi32>
    %broadcast_in_dim3A_31 = vector.shape_cast %get3A_30 : vector<10000xi32> to vector<1x10000xi32>
    %eq3A = vector.broadcast %broadcast_in_dim3A_31 : vector<1x10000xi32> to vector<100x10000xi32>
    %eq3A_32 = arith.cmpi eq, %eq3A, %iota3A : vector<100x10000xi32>
    %jit3A = arith.constant 0.00999999977 : f32
    %jit3A_33 = arith.constant 0.000000e+00 : f32
    %broadcast_in_dim3A_34 = vector.broadcast %jit3A : f32 to vector<100x10000xf32>
    %broadcast_in_dim3A_35 = vector.broadcast %jit3A_33 : f32 to vector<100x10000xf32>
    %select_n3A = arith.select %eq3A_32, %broadcast_in_dim3A_34, %broadcast_in_dim3A_35 : vector<100x10000xi1>, vector<100x10000xf32>
    %dot_general3A = arith.constant dense<0.000000e+00> : vector<100x128xf32>
    %dot_general3A_36 = tpu.matmul %select_n3A, %max3A_28, %dot_general3A {dimension_numbers = #tpu.dot_dimension_numbers<[1], [0], [0], [1], [0, 0, 1, 1], [], []>, precision = #tpu.contract_precision<fp32>, transpose_lhs_hint = false} : vector<100x10000xf32>, vector<10000x128xf32>, vector<100x128xf32> -> vector<100x128xf32>
    %max3A_37 = arith.constant 0.000000e+00 : f32
    %max3A_38 = vector.broadcast %max3A_37 : f32 to vector<100x128xf32>
    %max3A_39 = arith.maximumf %dot_general3A_36, %max3A_38 : vector<100x128xf32>
    %get3A_40 = arith.constant 0 : index
    %get3A_41 = arith.constant 0 : index
    %get3A_42 = vector.load %arg4[%get3A_40, %get3A_41] : memref<128x128xf32, #tpu.memory_space<vmem>>, vector<128x128xf32>
    %convert_element_type3A = arith.truncf %max3A_39 : vector<100x128xf32> to vector<100x128xbf16>
    %convert_element_type3A_43 = arith.truncf %get3A_42 : vector<128x128xf32> to vector<128x128xbf16>
    %dot_general3A_44 = arith.constant dense<0.000000e+00> : vector<100x128xf32>
    %dot_general3A_45 = tpu.matmul %convert_element_type3A, %convert_element_type3A_43, %dot_general3A_44 {dimension_numbers = #tpu.dot_dimension_numbers<[1], [0], [0], [1], [0, 0, 1, 1], [], []>, transpose_lhs_hint = false} : vector<100x128xbf16>, vector<128x128xbf16>, vector<100x128xf32> -> vector<100x128xf32>
    %get3A_46 = arith.constant 0 : index
    %get3A_47 = vector.load %arg5[%get3A_46] : memref<128xf32, #tpu.memory_space<vmem>>, vector<128xf32>
    %broadcast_in_dim3A_48 = vector.shape_cast %get3A_47 : vector<128xf32> to vector<1x128xf32>
    %add3A_49 = vector.broadcast %broadcast_in_dim3A_48 : vector<1x128xf32> to vector<100x128xf32>
    %add3A_50 = arith.addf %dot_general3A_45, %add3A_49 : vector<100x128xf32>
    %get3A_51 = arith.constant 0 : index
    %get3A_52 = arith.constant 0 : index
    %get3A_53 = vector.load %arg6[%get3A_51, %get3A_52] : memref<128x128xf32, #tpu.memory_space<vmem>>, vector<128x128xf32>
    %convert_element_type3A_54 = arith.truncf %add3A_50 : vector<100x128xf32> to vector<100x128xbf16>
    %convert_element_type3A_55 = arith.truncf %get3A_53 : vector<128x128xf32> to vector<128x128xbf16>
    %dot_general3A_56 = arith.constant dense<0.000000e+00> : vector<100x128xf32>
    %dot_general3A_57 = tpu.matmul %convert_element_type3A_54, %convert_element_type3A_55, %dot_general3A_56 {dimension_numbers = #tpu.dot_dimension_numbers<[1], [0], [0], [1], [0, 0, 1, 1], [], []>, transpose_lhs_hint = false} : vector<100x128xbf16>, vector<128x128xbf16>, vector<100x128xf32> -> vector<100x128xf32>
    %get3A_58 = arith.constant 0 : index
    %get3A_59 = vector.load %arg7[%get3A_58] : memref<128xf32, #tpu.memory_space<vmem>>, vector<128xf32>
    %broadcast_in_dim3A_60 = vector.shape_cast %get3A_59 : vector<128xf32> to vector<1x128xf32>
    %add3A_61 = vector.broadcast %broadcast_in_dim3A_60 : vector<1x128xf32> to vector<100x128xf32>
    %add3A_62 = arith.addf %dot_general3A_57, %add3A_61 : vector<100x128xf32>
    %max3A_63 = arith.constant 0.000000e+00 : f32
    %max3A_64 = vector.broadcast %max3A_63 : f32 to vector<100x128xf32>
    %max3A_65 = arith.maximumf %add3A_62, %max3A_64 : vector<100x128xf32>
    %get3A_66 = arith.constant 0 : index
    %get3A_67 = arith.constant 0 : index
    %get3A_68 = vector.load %arg8[%get3A_66, %get3A_67] : memref<128x128xf32, #tpu.memory_space<vmem>>, vector<128x128xf32>
    %convert_element_type3A_69 = arith.truncf %max3A_65 : vector<100x128xf32> to vector<100x128xbf16>
    %convert_element_type3A_70 = arith.truncf %get3A_68 : vector<128x128xf32> to vector<128x128xbf16>
    %dot_general3A_71 = arith.constant dense<0.000000e+00> : vector<100x128xf32>
    %dot_general3A_72 = tpu.matmul %convert_element_type3A_69, %convert_element_type3A_70, %dot_general3A_71 {dimension_numbers = #tpu.dot_dimension_numbers<[1], [0], [0], [1], [0, 0, 1, 1], [], []>, transpose_lhs_hint = false} : vector<100x128xbf16>, vector<128x128xbf16>, vector<100x128xf32> -> vector<100x128xf32>
    %get3A_73 = arith.constant 0 : index
    %get3A_74 = vector.load %arg9[%get3A_73] : memref<128xf32, #tpu.memory_space<vmem>>, vector<128xf32>
    %broadcast_in_dim3A_75 = vector.shape_cast %get3A_74 : vector<128xf32> to vector<1x128xf32>
    %add3A_76 = vector.broadcast %broadcast_in_dim3A_75 : vector<1x128xf32> to vector<100x128xf32>
    %add3A_77 = arith.addf %dot_general3A_72, %add3A_76 : vector<100x128xf32>
    %max3A_78 = arith.constant 0.000000e+00 : f32
    %max3A_79 = vector.broadcast %max3A_78 : f32 to vector<100x128xf32>
    %max3A_80 = arith.maximumf %add3A_77, %max3A_79 : vector<100x128xf32>
    %get3A_81 = arith.constant 0 : index
    %get3A_82 = arith.constant 0 : index
    %get3A_83 = vector.load %arg10[%get3A_81, %get3A_82] : memref<128x128xf32, #tpu.memory_space<vmem>>, vector<128x128xf32>
    %convert_element_type3A_84 = arith.truncf %max3A_80 : vector<100x128xf32> to vector<100x128xbf16>
    %convert_element_type3A_85 = arith.truncf %get3A_83 : vector<128x128xf32> to vector<128x128xbf16>
    %dot_general3A_86 = arith.constant dense<0.000000e+00> : vector<100x128xf32>
    %dot_general3A_87 = tpu.matmul %convert_element_type3A_84, %convert_element_type3A_85, %dot_general3A_86 {dimension_numbers = #tpu.dot_dimension_numbers<[1], [0], [0], [1], [0, 0, 1, 1], [], []>, transpose_lhs_hint = false} : vector<100x128xbf16>, vector<128x128xbf16>, vector<100x128xf32> -> vector<100x128xf32>
    %get3A_88 = arith.constant 0 : index
    %get3A_89 = vector.load %arg11[%get3A_88] : memref<128xf32, #tpu.memory_space<vmem>>, vector<128xf32>
    %broadcast_in_dim3A_90 = vector.shape_cast %get3A_89 : vector<128xf32> to vector<1x128xf32>
    %add3A_91 = vector.broadcast %broadcast_in_dim3A_90 : vector<1x128xf32> to vector<100x128xf32>
    %add3A_92 = arith.addf %dot_general3A_87, %add3A_91 : vector<100x128xf32>
    %max3A_93 = arith.constant 0.000000e+00 : f32
    %max3A_94 = vector.broadcast %max3A_93 : f32 to vector<100x128xf32>
    %max3A_95 = arith.maximumf %add3A_92, %max3A_94 : vector<100x128xf32>
    %get3A_96 = arith.constant 0 : index
    %get3A_97 = arith.constant 0 : index
    %get3A_98 = vector.load %arg12[%get3A_96, %get3A_97] : memref<128x1xf32, #tpu.memory_space<vmem>>, vector<128x1xf32>
    %convert_element_type3A_99 = arith.truncf %max3A_95 : vector<100x128xf32> to vector<100x128xbf16>
    %convert_element_type3A_100 = arith.truncf %get3A_98 : vector<128x1xf32> to vector<128x1xbf16>
    %dot_general3A_101 = arith.constant dense<0.000000e+00> : vector<100x1xf32>
    %dot_general3A_102 = tpu.matmul %convert_element_type3A_99, %convert_element_type3A_100, %dot_general3A_101 {dimension_numbers = #tpu.dot_dimension_numbers<[1], [0], [0], [1], [0, 0, 1, 1], [], []>, transpose_lhs_hint = false} : vector<100x128xbf16>, vector<128x1xbf16>, vector<100x1xf32> -> vector<100x1xf32>
    %get3A_103 = arith.constant 0 : index
    %get3A_104 = vector.load %arg13[%get3A_103] : memref<1xf32, #tpu.memory_space<vmem>>, vector<1xf32>
    %broadcast_in_dim3A_105 = vector.shape_cast %get3A_104 : vector<1xf32> to vector<1x1xf32>
    %add3A_106 = vector.broadcast %broadcast_in_dim3A_105 : vector<1x1xf32> to vector<100x1xf32>
    %add3A_107 = arith.addf %dot_general3A_102, %add3A_106 : vector<100x1xf32>
    %swap3A = arith.constant 0 : index
    %swap3A_108 = arith.constant 0 : index
    %swap3A_109 = vector.load %arg14[%swap3A, %swap3A_108] : memref<100x1xf32, #tpu.memory_space<vmem>>, vector<100x1xf32>
    tpu.vector_store %arg14[%swap3A, %swap3A_108], %add3A_107 {strides = array<i32>} : memref<100x1xf32, #tpu.memory_space<vmem>>, vector<100x1xf32>,
    return
  }
}

</mosaic_0001>

<sc_bundles>
// kernel: kernel.11.cloned.1.call-start
scs
__scs_entry_jumppad:
0x0: {  	(pc) =	sbr.rel $0x88, $3  }
0x1: {  	(tag) =	ssettag $0x0;
	lr =	simm.s32 $0x1  }
0x2: {  	[smem:$0x3F8A] =	sst lr;
	_ =	strace $0xD0000000  }
0x3: {  	_ = 	snop  }
0x4: {  	_ = 	snop  }
0x5: {  	_ = 	snop  }
0x6: {  	_ = 	snop  }
0x7: {  	_ = 	snop  }
__scs_overlays_trampoline_lowered:
0x8: {  	[smem:$0x3F99] =	sst s0  }
0x9: {  	[smem:$0x3F9A] =	sst s1  }
0xa: {  	[smem:$0x3F9B] =	sst s2  }
0xb: {  	[smem:$0x3F9C] =	sst s3  }
0xc: {  	[smem:$0x3F9D] =	sst s4  }
0xd: {  	[smem:$0x3F9E] =	sst s5  }
0xe: {  	[smem:$0x3F9F] =	sst s6  }
0xf: {  	[smem:$0x3FA0] =	sst s7  }
0x10: {  	[smem:$0x3FA1] =	sst s8  }
0x11: {  	[smem:$0x3FA2] =	sst s9;
	s0 =	simm.s32 @!p0 $0x0  }
0x12: {  	s1 =	sld [smem:$0x3F88];
	s0 =	simm.s32 @p0 $0x1  }
0x13: {  	[smem:$0x3FA3] =	sst s0;
	s0 =	simm.s32 @!p1 $0x0  }
0x14: {  	s2 =	sld [smem:$0x3F87];
	s0 =	simm.s32 @p1 $0x1  }
0x15: {  	[smem:$0x3FA4] =	sst s0;
	s0 =	simm.s32 @!p2 $0x0  }
0x16: {  	s3 =	sld [smem:$0x3FDB];
	s0 =	simm.s32 @p2 $0x1  }
0x17: {  	s4 =	simm.s32 $0x1BF5;
	[smem:$0x3FA6] =	sst s0  }
0x18: {  	s0 =	sld [smem:$0x3F89];
	_ =	swait.ge [sflag:s4], $0x0  }
0x19: {  	s7 =	sld [smem:$0x3F8A]  }
0x1a: {  	s8 =	sadd.s32 $0xFFFFE003, lr  }
0x1b: {  	s9 =	sadd.s32 $0xFFFFFEF7, lr;
	s5 =	simm.s32 $0xFFFFFFFF;
	p2 =	slt.u32 s8, $0xFFFFF086  }
0x1c: {  	p1 =	slt.u32 s9, $0xF7A;
	s5 =	simm.s32 @!p2 $0x0  }
0x1d: {  	s5 =	simm.s32 @p1 $0x1;
	p0 =	seq.s32 s7, s2  }
0x1e: {  	s7 =	smul.u32 @!p0 $0xF7A, s2;
	p2 =	seq.s32 @!p0 s5, $0x0  }
0x1f: {  	s9 =	smul.u32 $0xF7A, s1;
	s8 =	simm.s32 @!p0 $0x1BF5;
	p2 =	por !p2, p0  }
0x20: {  	[sflag:s8] =	ssyncset.s32 @!p0 $0xFFFFF086;
	s6 =	sadd.s32 @!p0 s3, s7;
	s7 =	simm.s32 @!p0 $0x108  }
0x21: {  	s3 =	sadd.s32 s3, s9;
	s6 =	sadd.s32 @!p0 $0x88, s6;
	s7 =	simm.s32 @p2 $0x1082  }
0x22: {  	[simem:s7], [sflag:s8] =	dma.local @!p0 [hbm:s6], $0xF7A  }
0x23: {  	s9 =	sor.u32 $0xD0000000, s2;
	s6 =	simm.s32 $0x108;
	_ =	swait.ge @!p0 [sflag:s8], $0x0  }
0x24: {  	s3 =	sadd.s32 $0x88, s3;
	s6 =	simm.s32 @!p1 $0x1082;
	[sflag:s4] =	ssyncset.s32 $0xFFFFF086  }
0x25: {  	[simem:s6], [sflag:s4] =	dma.local [hbm:s3], $0xF7A  }
0x26: {  	[smem:$0x3F8A] =	sst s1;
	(tag) =	ssettag s2;
	_ =	strace s9  }
0x27: {  	s1 =	sld [smem:$0x3F9A]  }
0x28: {  	s2 =	sld [smem:$0x3F9B]  }
0x29: {  	s4 =	sld [smem:$0x3F9D]  }
0x2a: {  	p0 =	seq.s32 s5, $0x0;
	s5 =	sld [smem:$0x3F9E]  }
0x2b: {  	s6 =	sld [smem:$0x3F9F]  }
0x2c: {  	s7 =	sld [smem:$0x3FA0]  }
0x2d: {  	s3 =	simm.s32 $0x108;
	s8 =	sld [smem:$0x3FA1]  }
0x2e: {  	s3 =	simm.s32 @!p0 $0x1082;
	s9 =	sld [smem:$0x3FA2]  }
0x2f: {  	lr =	sadd.s32 s0, s3;
	s0 =	sld [smem:$0x3F99]  }
0x30: {  	s3 =	sld [smem:$0x3F9C]  }
0x31: {  	[smem:$0x3FA5] =	sst s10  }
0x32: {  	s10 =	sld [smem:$0x3FA3];
	_ =	sdelay $0x3  }
0x33: {  	p0 =	seq.s32 s10, $0x1;
	s10 =	sld [smem:$0x3FA5];
	_ =	sdelay $0x3  }
0x34: {  	[smem:$0x3FA5] =	sst s10  }
0x35: {  	s10 =	sld [smem:$0x3FA4];
	_ =	sdelay $0x3  }
0x36: {  	p1 =	seq.s32 s10, $0x1;
	s10 =	sld [smem:$0x3FA5];
	_ =	sdelay $0x3  }
0x37: {  	[smem:$0x3FA5] =	sst s10  }
0x38: {  	s10 =	sld [smem:$0x3FA6]  }
0x39: {  	_ = 	snop;
	(pc) =	sbr.ind lr, $3  }
0x3a: {  	_ = 	snop  }
0x3b: {  	_ = 	snop  }
0x3c: {  	p2 =	seq.s32 s10, $0x1;
	s10 =	sld [smem:$0x3FA5]  }
0x3d: {  	_ =	shalt  }
0x3e: {  	_ =	shalt  }
0x3f: {  	_ =	shalt  }
0x40: {  	_ =	shalt  }
0x41: {  	_ =	shalt  }
0x42: {  	_ =	shalt  }
0x43: {  	_ =	shalt  }
0x44: {  	_ =	shalt  }
0x45: {  	_ =	shalt  }
0x46: {  	_ =	shalt  }
0x47: {  	_ =	shalt  }
0x48: {  	_ =	shalt  }
0x49: {  	_ =	shalt  }
0x4a: {  	_ =	shalt  }
0x4b: {  	_ =	shalt  }
0x4c: {  	_ =	shalt  }
0x4d: {  	_ =	shalt  }
0x4e: {  	_ =	shalt  }
0x4f: {  	_ =	shalt  }
0x50: {  	_ =	shalt  }
0x51: {  	_ =	shalt  }
0x52: {  	_ =	shalt  }
0x53: {  	_ =	shalt  }
0x54: {  	_ =	shalt  }
0x55: {  	_ =	shalt  }
0x56: {  	_ =	shalt  }
0x57: {  	_ =	shalt  }
0x58: {  	_ =	shalt  }
0x59: {  	_ =	shalt  }
0x5a: {  	_ =	shalt  }
0x5b: {  	_ =	shalt  }
0x5c: {  	_ =	shalt  }
0x5d: {  	_ =	shalt  }
0x5e: {  	_ =	shalt  }
0x5f: {  	_ =	shalt  }
0x60: {  	_ =	shalt  }
0x61: {  	_ =	shalt  }
0x62: {  	_ =	shalt  }
0x63: {  	_ =	shalt  }
0x64: {  	_ =	shalt  }
0x65: {  	_ =	shalt  }
0x66: {  	_ =	shalt  }
0x67: {  	_ =	shalt  }
0x68: {  	_ =	shalt  }
0x69: {  	_ =	shalt  }
0x6a: {  	_ =	shalt  }
0x6b: {  	_ =	shalt  }
0x6c: {  	_ =	shalt  }
0x6d: {  	_ =	shalt  }
0x6e: {  	_ =	shalt  }
0x6f: {  	_ =	shalt  }
0x70: {  	_ =	shalt  }
0x71: {  	_ =	shalt  }
0x72: {  	_ =	shalt  }
0x73: {  	_ =	shalt  }
0x74: {  	_ =	shalt  }
0x75: {  	_ =	shalt  }
0x76: {  	_ =	shalt  }
0x77: {  	_ =	shalt  }
0x78: {  	_ =	shalt  }
0x79: {  	_ =	shalt  }
0x7a: {  	_ =	shalt  }
0x7b: {  	_ =	shalt  }
0x7c: {  	_ =	shalt  }
0x7d: {  	_ =	shalt  }
0x7e: {  	_ =	shalt  }
0x7f: {  	_ =	shalt  }
0x80: {  	_ =	shalt  }
0x81: {  	_ =	shalt  }
0x82: {  	_ =	shalt  }
0x83: {  	_ =	shalt  }
0x84: {  	_ =	shalt  }
0x85: {  	_ =	shalt  }
0x86: {  	_ =	shalt  }
0x87: {  	_ =	shalt  }
.Lfunc_end0:
.L_simem_size_0:
called_computation.1_lowered:
.L_overlay_start_0:
0x88: {  	s2 =	sld [smem:$0x3FD9]  }
0x89: {  	s3 =	sld [smem:$0x3FFE];
	_ =	sdelay $0x1  }
0x8a: {  	s1 =	srdreg.scid  }
0x8b: {  	s0 =	sand.u32 $0x1, s1  }
0x8c: {  	s16 =	sshll.u32 s0, $0xA;
	s2 =	sadd.s32 s3, s2  }
0x8d: {  	s2 =	sadd.s32 s2, s16  }
0x8e: {  	[smem:$0x3FB1] =	sst s2  }
0x8f: {  	_ = 	snop  }
0x90: {  	(tm) =	ssettm $0x1  }
0x91: {  	s17 =	sld [smem:$0x3FFB];
	_ =	sdelay $0x3  }
0x92: {  	_ =	strace s17  }
0x93: {  	s2 =	sld [smem:$0x3FFC];
	_ =	sdelay $0x3  }
0x94: {  	_ =	strace s2  }
0x95: {  	s2 =	sld [smem:$0x3FFD];
	_ =	sdelay $0x3  }
0x96: {  	_ =	strace s2  }
0x97: {  	_ =	strace $0x8FFFFFFF  }
0x98: {  	s18 =	sld [smem:$0x3FDB];
	_ =	sdelay $0x1  }
0x99: {  	s19 =	simm.s32 $_scs_section_size  }
0x9a: {  	s4 =	simm.s32 $_size__tile_overlayer_lowered;
	s5 =	simm.s32 $_tile_overlayer_lowered  }
0x9b: {  	s22 =	simm.s32 $0x1BFF;
	s21 =	sshll.u32 s5, $0x1;
	s2 =	sadd.s32 s19, s18  }
0x9c: {  	s6 =	simm.s32 $0x0;
	s20 =	sshll.u32 s4, $0x1;
	s4 =	sadd.s32 s21, s2  }
0x9d: {  	[timem:s6], [sflag:s22] =	dma.local [hbm:s4], s20  }
0x9e: {  	_ =	swait.ge [sflag:s22], s20  }
0x9f: {  	s3 =	ssub.s32 $0x0, s20;
	[sflag:s22] =	ssyncset.done $0x0  }
0xa0: {  	[sflag:s22] =	ssyncadd.s32 s3;
	_ =	sdelay $0x1  }
0xa1: {  	s23 =	simm.s32 $0x1B8B  }
0xa2: {  	_ =	swait.ge [sflag:s23], $0x1  }
0xa3: {  	[sflag:s23] =	ssyncset.done $0x0  }
0xa4: {  	s25 =	simm.s32 $0x1B8E;
	s24 =	sld [smem:$0x3FFE];
	[sflag:s23] =	ssyncadd.s32 $0xFFFFFFFF  }
0xa5: {  	s26 =	simm.s32 $execute0_lowered;
	[smem:$0x3FD2] =	sst s25  }
0xa6: {  	s4 =	sshll.u32 s26, $0x1;
	_ =	strace $0x80000049;
	[dreg:$0x1] =	wrdreg $0xFFFFFFFF  }
0xa7: {  	s28 =	simm.s32 $_size_execute0_lowered;
	s2 =	sadd.s32 s2, s4;
	[dreg:$0x0] =	wrdreg $0x0  }
0xa8: {  	s4 =	sshll.u32 s28, $0x1;
	[dreg:$0x2] =	wrdreg s2  }
0xa9: {  	[dreg:$0x3] =	wrdreg s4  }
0xaa: {  	[dreg:$0x4] =	wrdreg $0xC0  }
0xab: {  	_ =	task [dreg:s6], $0x5FFFF  }
0xac: {  	[dreg:$0x1] =	wrdreg $0xFFFFFFFF  }
0xad: {  	[dreg:$0x0] =	wrdreg $0x60  }
0xae: {  	[dreg:$0x2] =	wrdreg s24  }
0xaf: {  	[dreg:$0x3] =	wrdreg $0xB7800  }
0xb0: {  	[dreg:$0x4] =	wrdreg $0x9  }
0xb1: {  	_ =	task.clear_ibuf [dreg:s6], $0x5FFFF;
	_ =	strace $0x90000049  }
0xb2: {  	s29 =	simm.s32 $0x9;
	_ =	strace $0x8000004B  }
0xb3: {  	_ =	swait.ge [sflag:s29], $0x1  }
0xb4: {  	[sflag:s29] =	ssyncadd.s32 $0xFFFFFFFF  }
0xb5: {  	_ =	strace $0x9000004B  }
0xb6: {  	_ =	sfence  }
0xb7: {  	s30 =	sld [smem:$0x0];
	_ =	sdelay $0x2  }
0xb8: {  	s31 =	sshll.u32 s1, $0xD;
	s1 =	sshrl.u32 s1, $0x2  }
0xb9: {  	s3 =	sand.u32 $0x4000, s31;
	s1 =	sadd.s32 s1, s30  }
0xba: {  	s0 =	sor.u32 s3, s0;
	s1 =	sshll.u32 s1, $0x11  }
0xbb: {  	s0 =	sor.u32 s1, s0  }
0xbc: {  	s0 =	sadd.s32 $0x8F2B, s0  }
0xbd: {  	[sflag:s0] =	ssyncadd.remote.s32 $0x1  }
0xbe: {  	_ =	sfence.sel $0xFFFF  }
0xbf: {  	[dreg:$0x0] =	wrdreg $0xFFFFFFFF;
	(pc) =	sbr.abs _section_cstart, $3  }
0xc0: {  	[dreg:$0x1] =	wrdreg $0xFFFFFFFF  }
0xc1: {  	_ =	task.clear_ibuf [dreg:s6], $0x2FFFF;
	_ =	strace $0x9FFFFFFF  }
0xc2: {  	(tm) =	ssettm $0x7FFFFFFF  }
0xc3: {  	_ =	shalt  }
tec
execute0_lowered:
.L_overlay_start_1:
0x0: {  	(tag) =	ssettag $0x1  }
0x1: {  	s5 =	rddreg [dreg:$0x0];
	s1 =	srdreg.scid  }
0x2: {  	s0 =	stileid.u32;
	s2 =	rddreg [dreg:$0x1]  }
0x3: {  	s3 =	simm.s32 $0x0;
	s14 =	simm.s32 $0x6780;
	s15 =	simm.s32 $0x8F80  }
0x4: {  	s16 =	simm.s32 $0x1;
	s17 =	simm.s32 $0x2;
	s18 =	simm.s32 $0x3  }
0x5: {  	s19 =	simm.s32 $0x4;
	s20 =	simm.s32 $0x26C0;
	s21 =	simm.s32 $0x6580  }
0x6: {  	s22 =	simm.s32 $0x0;
	s6 =	sand.u32 $0x1, s1;
	s1 =	rddreg [dreg:$0x2]  }
0x7: {  	s4 =	sshll.u32 s0, $0x1;
	[smem:$0x7FF] =	sst s3;
	s9 =	smul.u32 $0x2700, s0  }
0x8: {  	s28 =	smul.u32 $0x4E000, s0;
	s31 =	sshll.u32 s0, $0x6;
	s7 =	sor.u32 s6, s4  }
0x9: {  	_ =	strace $0x8000004A;
	s4 =	sadd.s32 $0x44C00, s5;
	s10 =	smul.u32 $0x27100, s6  }
0xa: {  	s6 =	ssub.s32 $0x2, s6;
	s8 =	smul.u32 $0x4E2, s7;
	s7 =	sshll.u32 s7, $0xB  }
0xb: {  	s12 =	sadd.s32 s9, s5;
	s29 =	sshrl.u32 s6, $0x1;
	s11 =	sadd.s32 s7, s5  }
0xc: {  	s9 =	sadd.s32 s9, s10;
	s7 =	sshrl.u32 s28, $0x2;
	s30 =	ssub.s32 s6, s29  }
0xd: {  	s6 =	sor.u32 $0x1C05, s31;
	s8 =	sadd.s32 s8, s5;
	s9 =	sadd.s32 s9, s5  }
0xe: {  	s13 =	sadd.s32 s7, s2;
	s5 =	sadd.s32 $0x1DA00, s12;
	s10 =	smax.u32 s30, $0x1  }
0xf: {  	s12 =	simm.s32 $0x5;
	s7 =	sadd.s32 $0x3C00, s8;
	s8 =	sadd.s32 $0xDA00, s11  }
0x10: {  	s9 =	sadd.s32 $0xE1600, s9;
	s11 =	sshrl.u32 s13, $0x3;
	s13 =	simm.s32 $0x50  }
.LBB2_1:
0x11: {  	[spmem:s11], [sflag:s6] =	dma.local [hbm:s5], $0x2800  }
0x12: {  	_ =	swait.ge [sflag:s12], $0x2800  }
0x13: {  	[sflag:s12] =	ssyncset.done $0x0  }
0x14: {  	[sflag:s12] =	ssyncadd.s32 $0xFFFFD800  }
0x15: {  	[tilespmem:s3], [sflag:$0x5] =	stream.linear.gather [hbm4b:s7+s3], $0x2710, $0x38;
	[tilespmem:$0x1F000] =	vst v63  }
0x16: {  	_ =	swait.ge [sflag:s12], $0x2710  }
0x17: {  	[sflag:s12] =	ssyncset.done $0x0  }
0x18: {  	s23 =	simm.s32 $0x2780;
	[sflag:s12] =	ssyncadd.s32 $0xFFFFD8F0  }
0x19: {  	[tilespmem:s23], [sflag:$0x5] =	stream.linear.gather [hbm4b:s8+s3], $0x3E80, $0x38;
	[tilespmem:$0x1F000] =	vst v63  }
0x1a: {  	_ =	swait.ge [sflag:s12], $0x3E80  }
0x1b: {  	[sflag:s12] =	ssyncset.done $0x0  }
0x1c: {  	[sflag:s12] =	ssyncadd.s32 $0xFFFFC180  }
0x1d: {  	s24 =	simm.s32 $0x0;
	[bflag:$0x0] =	sbarrier.arrive $0xFFFF  }
0x1e: {  	[tilespmem:s14], [sflag:$0x1] =	stream.indirect.gather [hbm4b:s4+s13], $0x80, s24, s13, $0xb8;
	[tilespmem:$0x1F000] =	vst v63  }
0x1f: {  	s30 =	simm.s32 $0x50  }
0x20: {  	[tilespmem:s15], [sflag:$0x2] =	stream.indirect.gather [hbm4b:s4+s13], $0x80, s30, s13, $0xb8;
	[tilespmem:$0x1F000] =	vst v63  }
0x21: {  	_ =	swait.ge [sflag:s16], $0x2800  }
0x22: {  	[sflag:s16] =	ssyncset.done $0x0  }
0x23: {  	[sflag:s16] =	ssyncadd.s32 $0xFFFFD800  }
0x24: {  	[spmem:s2] =	stream.indirect.scatter.add.f32 [tilespmem:s14], [sflag:$0x3], $0x80, s23, s13, $0xb8;
	[tilespmem:$0x1F000] =	vst v63  }
0x25: {  	_ =	swait.ge [sflag:s17], $0x2800  }
0x26: {  	[sflag:s17] =	ssyncset.done $0x0  }
0x27: {  	s31 =	simm.s32 $0x2800;
	[sflag:s17] =	ssyncadd.s32 $0xFFFFD800  }
0x28: {  	[spmem:s2] =	stream.indirect.scatter.add.f32 [tilespmem:s15], [sflag:$0x4], $0x80, s31, s13, $0xb8;
	[tilespmem:$0x1F000] =	vst v63  }
0x29: {  	_ =	swait.ge [sflag:s18], $0x2800  }
0x2a: {  	[sflag:s18] =	ssyncset.done $0x0  }
0x2b: {  	[sflag:s18] =	ssyncadd.s32 $0xFFFFD800  }
0x2c: {  	s25 =	simm.s32 $0x500;
	_ =	swait.ge [sflag:s19], $0x2800  }
0x2d: {  	s24 =	simm.s32 $0x280;
	s23 =	simm.s32 $0x2880;
	[sflag:s19] =	ssyncset.done $0x0  }
.LBB2_2:
0x2e: {  	s26 =	sshra.s32 s24, $0x2  }
0x2f: {  	[sflag:s19] =	ssyncadd.s32 $0xFFFFD800;
	s24 =	smov.u32 s25;
	s28 =	sadd.s32 $0x280, s25  }
0x30: {  	[tilespmem:s14], [sflag:$0x1] =	stream.indirect.gather [hbm4b:s4+s13], $0x80, s26, s13, $0xb8;
	[tilespmem:$0x1F000] =	vst v63  }
0x31: {  	p0 =	sne.s32 s25, $0x9880;
	s25 =	sadd.s32 $0x50, s26  }
0x32: {  	[tilespmem:s15], [sflag:$0x2] =	stream.indirect.gather [hbm4b:s4+s13], $0x80, s25, s13, $0xb8;
	[tilespmem:$0x1F000] =	vst v63  }
0x33: {  	_ =	swait.ge [sflag:s16], $0x2800  }
0x34: {  	[sflag:s16] =	ssyncset.done $0x0  }
0x35: {  	[sflag:s16] =	ssyncadd.s32 $0xFFFFD800  }
0x36: {  	[spmem:s2] =	stream.indirect.scatter.add.f32 [tilespmem:s14], [sflag:$0x3], $0x80, s23, s13, $0xb8;
	[tilespmem:$0x1F000] =	vst v63  }
0x37: {  	_ =	swait.ge [sflag:s17], $0x2800  }
0x38: {  	[sflag:s17] =	ssyncset.done $0x0  }
0x39: {  	s25 =	sadd.s32 $0x80, s23;
	[sflag:s17] =	ssyncadd.s32 $0xFFFFD800  }
0x3a: {  	[spmem:s2] =	stream.indirect.scatter.add.f32 [tilespmem:s15], [sflag:$0x4], $0x80, s25, s13, $0xb8;
	[tilespmem:$0x1F000] =	vst v63  }
.Ltmp0:
0x3b: {  	_ =	swait.ge [sflag:s18], $0x2800;
	(pc) =	sbr.rel @p0 .LBB2_2-.Ltmp0, $4  }
0x3c: {  	[sflag:s18] =	ssyncset.done $0x0  }
0x3d: {  	[sflag:s18] =	ssyncadd.s32 $0xFFFFD800  }
0x3e: {  	_ =	swait.ge [sflag:s19], $0x2800  }
0x3f: {  	s23 =	sadd.s32 $0x100, s23;
	s25 =	smov.u32 s28;
	[sflag:s19] =	ssyncset.done $0x0  }
0x40: {  	s24 =	sshra.s32 s24, $0x2;
	[sflag:s19] =	ssyncadd.s32 $0xFFFFD800  }
0x41: {  	[tilespmem:s14], [sflag:$0x1] =	stream.indirect.gather [hbm4b:s4+s13], $0x80, s24, s13, $0xb8;
	[tilespmem:$0x1F000] =	vst v63  }
0x42: {  	s24 =	sadd.s32 $0x50, s24  }
0x43: {  	[tilespmem:s15], [sflag:$0x2] =	stream.indirect.gather [hbm4b:s4+s13], $0x80, s24, s13, $0xb8;
	[tilespmem:$0x1F000] =	vst v63  }
0x44: {  	_ =	swait.ge [sflag:s16], $0x2800  }
0x45: {  	[sflag:s16] =	ssyncset.done $0x0  }
0x46: {  	[sflag:s16] =	ssyncadd.s32 $0xFFFFD800  }
0x47: {  	[spmem:s2] =	stream.indirect.scatter.add.f32 [tilespmem:s14], [sflag:$0x3], $0x80, s23, s13, $0xb8;
	[tilespmem:$0x1F000] =	vst v63  }
0x48: {  	_ =	swait.ge [sflag:s17], $0x2800  }
0x49: {  	[sflag:s17] =	ssyncset.done $0x0  }
0x4a: {  	s31 =	sadd.s32 $0x80, s23;
	[sflag:s17] =	ssyncadd.s32 $0xFFFFD800  }
0x4b: {  	[spmem:s2] =	stream.indirect.scatter.add.f32 [tilespmem:s15], [sflag:$0x4], $0x80, s31, s13, $0xb8;
	[tilespmem:$0x1F000] =	vst v63  }
0x4c: {  	_ =	swait.ge [sflag:s18], $0x2800  }
0x4d: {  	[sflag:s18] =	ssyncset.done $0x0  }
0x4e: {  	[sflag:s18] =	ssyncadd.s32 $0xFFFFD800  }
0x4f: {  	_ =	swait.ge [sflag:s19], $0x2800  }
0x50: {  	[sflag:s19] =	ssyncset.done $0x0  }
0x51: {  	[sflag:s19] =	ssyncadd.s32 $0xFFFFD800  }
0x52: {  	[tilespmem:s14], [sflag:$0x1] =	stream.indirect.gather [hbm4b:s4+s13], $0x80, s20, s13, $0xb8;
	[tilespmem:$0x1F000] =	vst v63  }
0x53: {  	_ =	swait.ge [sflag:s16], $0x2800  }
0x54: {  	[sflag:s16] =	ssyncset.done $0x0  }
0x55: {  	[sflag:s16] =	ssyncadd.s32 $0xFFFFD800  }
0x56: {  	[spmem:s2] =	stream.indirect.scatter.add.f32 [tilespmem:s14], [sflag:$0x3], $0x80, s21, s13, $0xb8;
	[tilespmem:$0x1F000] =	vst v63  }
0x57: {  	_ =	swait.ge [sflag:s18], $0x2800  }
0x58: {  	s22 =	sadd.s32 $0x1, s22;
	[sflag:s18] =	ssyncset.done $0x0  }
0x59: {  	p0 =	sne.s32 s22, s10;
	[sflag:s18] =	ssyncadd.s32 $0xFFFFD800  }
.Ltmp1:
0x5a: {  	[bflag:$0x0] =	sbarrier.arrive $0xFFFF;
	(pc) =	sbr.rel @p0 .LBB2_1-.Ltmp1, $4  }
0x5b: {  	[hbm:s9], [sflag:s6] =	dma.local [spmem:s11], $0x2800  }
0x5c: {  	_ =	swait.ge [sflag:s12], $0x2800  }
0x5d: {  	[sflag:s12] =	ssyncset.done $0x0  }
0x5e: {  	[sflag:s12] =	ssyncadd.s32 $0xFFFFD800  }
0x5f: {  	_ =	sfence.sel $0x180000  }
0x60: {  	[bflag:$0x0] =	sbarrier.arrive $0xFFFF  }
0x61: {  	p0 =	sne.s32 s0, $0x0;
	_ =	strace $0x9000004A  }
0x62: {  	s0 =	sadd.s32 @!p0 $0x100000, s1;
	[bflag:$0x2] =	sbarrier.arrive $0xFFFF  }
0x63: {  	[sflag:s0] =	ssyncadd.tile.s32 @!p0 $0x1;
	_ =	shalt  }
.Lfunc_end2:
_tile_overlayer_lowered:
.L_overlay_start_2:
0x64: {  	(tag) =	ssettag $0x2  }
0x65: {  	s0 =	rddreg [dreg:$0x0];
	s2 =	stileid.u32  }
0x66: {  	s1 =	rddreg [dreg:$0x1];
	p0 =	sne.s32 s2, $0x0  }
0x67: {  	s3 =	rddreg [dreg:$0x2];
	[bflag:$0x3] =	sbarrier.arrive $0xFFFF;
	s2 =	simm.s32 @!p0 $0x1C05  }
0x68: {  	[timem:s3], [sflag:s2] =	dma.local @!p0 [hbm:s0], s1  }
0x69: {  	s0 =	simm.s32 @!p0 $0x5  }
0x6a: {  	_ =	swait.ge @!p0 [sflag:s0], s1  }
0x6b: {  	s1 =	ssub.s32 @!p0 $0x0, s1;
	[sflag:s0] =	ssyncset.done @!p0 $0x0  }
0x6c: {  	[sflag:s0] =	ssyncadd.s32 @!p0 s1  }
0x6d: {  	[bflag:$0x3] =	sbarrier.arrive $0xFFFF  }
0x6e: {  	_ =	shalt  }

// kernel: kernel.8.cloned.1.call-start
scs
__scs_entry_jumppad:
0x0: {  	(pc) =	sbr.rel $0x88, $3  }
0x1: {  	(tag) =	ssettag $0x0;
	lr =	simm.s32 $0x1  }
0x2: {  	[smem:$0x3F8A] =	sst lr;
	_ =	strace $0xD0000000  }
0x3: {  	_ = 	snop  }
0x4: {  	_ = 	snop  }
0x5: {  	_ = 	snop  }
0x6: {  	_ = 	snop  }
0x7: {  	_ = 	snop  }
__scs_overlays_trampoline_lowered:
0x8: {  	[smem:$0x3F99] =	sst s0  }
0x9: {  	[smem:$0x3F9A] =	sst s1  }
0xa: {  	[smem:$0x3F9B] =	sst s2  }
0xb: {  	[smem:$0x3F9C] =	sst s3  }
0xc: {  	[smem:$0x3F9D] =	sst s4  }
0xd: {  	[smem:$0x3F9E] =	sst s5  }
0xe: {  	[smem:$0x3F9F] =	sst s6  }
0xf: {  	[smem:$0x3FA0] =	sst s7  }
0x10: {  	[smem:$0x3FA1] =	sst s8  }
0x11: {  	[smem:$0x3FA2] =	sst s9;
	s0 =	simm.s32 @!p0 $0x0  }
0x12: {  	s1 =	sld [smem:$0x3F88];
	s0 =	simm.s32 @p0 $0x1  }
0x13: {  	[smem:$0x3FA3] =	sst s0;
	s0 =	simm.s32 @!p1 $0x0  }
0x14: {  	s2 =	sld [smem:$0x3F87];
	s0 =	simm.s32 @p1 $0x1  }
0x15: {  	[smem:$0x3FA4] =	sst s0;
	s0 =	simm.s32 @!p2 $0x0  }
0x16: {  	s3 =	sld [smem:$0x3FDB];
	s0 =	simm.s32 @p2 $0x1  }
0x17: {  	s4 =	simm.s32 $0x1BF5;
	[smem:$0x3FA6] =	sst s0  }
0x18: {  	s0 =	sld [smem:$0x3F89];
	_ =	swait.ge [sflag:s4], $0x0  }
0x19: {  	s7 =	sld [smem:$0x3F8A]  }
0x1a: {  	s8 =	sadd.s32 $0xFFFFE003, lr  }
0x1b: {  	s9 =	sadd.s32 $0xFFFFFEF7, lr;
	s5 =	simm.s32 $0xFFFFFFFF;
	p2 =	slt.u32 s8, $0xFFFFF086  }
0x1c: {  	p1 =	slt.u32 s9, $0xF7A;
	s5 =	simm.s32 @!p2 $0x0  }
0x1d: {  	s5 =	simm.s32 @p1 $0x1;
	p0 =	seq.s32 s7, s2  }
0x1e: {  	s7 =	smul.u32 @!p0 $0xF7A, s2;
	p2 =	seq.s32 @!p0 s5, $0x0  }
0x1f: {  	s9 =	smul.u32 $0xF7A, s1;
	s8 =	simm.s32 @!p0 $0x1BF5;
	p2 =	por !p2, p0  }
0x20: {  	[sflag:s8] =	ssyncset.s32 @!p0 $0xFFFFF086;
	s6 =	sadd.s32 @!p0 s3, s7;
	s7 =	simm.s32 @!p0 $0x108  }
0x21: {  	s3 =	sadd.s32 s3, s9;
	s6 =	sadd.s32 @!p0 $0x88, s6;
	s7 =	simm.s32 @p2 $0x1082  }
0x22: {  	[simem:s7], [sflag:s8] =	dma.local @!p0 [hbm:s6], $0xF7A  }
0x23: {  	s9 =	sor.u32 $0xD0000000, s2;
	s6 =	simm.s32 $0x108;
	_ =	swait.ge @!p0 [sflag:s8], $0x0  }
0x24: {  	s3 =	sadd.s32 $0x88, s3;
	s6 =	simm.s32 @!p1 $0x1082;
	[sflag:s4] =	ssyncset.s32 $0xFFFFF086  }
0x25: {  	[simem:s6], [sflag:s4] =	dma.local [hbm:s3], $0xF7A  }
0x26: {  	[smem:$0x3F8A] =	sst s1;
	(tag) =	ssettag s2;
	_ =	strace s9  }
0x27: {  	s1 =	sld [smem:$0x3F9A]  }
0x28: {  	s2 =	sld [smem:$0x3F9B]  }
0x29: {  	s4 =	sld [smem:$0x3F9D]  }
0x2a: {  	p0 =	seq.s32 s5, $0x0;
	s5 =	sld [smem:$0x3F9E]  }
0x2b: {  	s6 =	sld [smem:$0x3F9F]  }
0x2c: {  	s7 =	sld [smem:$0x3FA0]  }
0x2d: {  	s3 =	simm.s32 $0x108;
	s8 =	sld [smem:$0x3FA1]  }
0x2e: {  	s3 =	simm.s32 @!p0 $0x1082;
	s9 =	sld [smem:$0x3FA2]  }
0x2f: {  	lr =	sadd.s32 s0, s3;
	s0 =	sld [smem:$0x3F99]  }
0x30: {  	s3 =	sld [smem:$0x3F9C]  }
0x31: {  	[smem:$0x3FA5] =	sst s10  }
0x32: {  	s10 =	sld [smem:$0x3FA3];
	_ =	sdelay $0x3  }
0x33: {  	p0 =	seq.s32 s10, $0x1;
	s10 =	sld [smem:$0x3FA5];
	_ =	sdelay $0x3  }
0x34: {  	[smem:$0x3FA5] =	sst s10  }
0x35: {  	s10 =	sld [smem:$0x3FA4];
	_ =	sdelay $0x3  }
0x36: {  	p1 =	seq.s32 s10, $0x1;
	s10 =	sld [smem:$0x3FA5];
	_ =	sdelay $0x3  }
0x37: {  	[smem:$0x3FA5] =	sst s10  }
0x38: {  	s10 =	sld [smem:$0x3FA6]  }
0x39: {  	_ = 	snop;
	(pc) =	sbr.ind lr, $3  }
0x3a: {  	_ = 	snop  }
0x3b: {  	_ = 	snop  }
0x3c: {  	p2 =	seq.s32 s10, $0x1;
	s10 =	sld [smem:$0x3FA5]  }
0x3d: {  	_ =	shalt  }
0x3e: {  	_ =	shalt  }
0x3f: {  	_ =	shalt  }
0x40: {  	_ =	shalt  }
0x41: {  	_ =	shalt  }
0x42: {  	_ =	shalt  }
0x43: {  	_ =	shalt  }
0x44: {  	_ =	shalt  }
0x45: {  	_ =	shalt  }
0x46: {  	_ =	shalt  }
0x47: {  	_ =	shalt  }
0x48: {  	_ =	shalt  }
0x49: {  	_ =	shalt  }
0x4a: {  	_ =	shalt  }
0x4b: {  	_ =	shalt  }
0x4c: {  	_ =	shalt  }
0x4d: {  	_ =	shalt  }
0x4e: {  	_ =	shalt  }
0x4f: {  	_ =	shalt  }
0x50: {  	_ =	shalt  }
0x51: {  	_ =	shalt  }
0x52: {  	_ =	shalt  }
0x53: {  	_ =	shalt  }
0x54: {  	_ =	shalt  }
0x55: {  	_ =	shalt  }
0x56: {  	_ =	shalt  }
0x57: {  	_ =	shalt  }
0x58: {  	_ =	shalt  }
0x59: {  	_ =	shalt  }
0x5a: {  	_ =	shalt  }
0x5b: {  	_ =	shalt  }
0x5c: {  	_ =	shalt  }
0x5d: {  	_ =	shalt  }
0x5e: {  	_ =	shalt  }
0x5f: {  	_ =	shalt  }
0x60: {  	_ =	shalt  }
0x61: {  	_ =	shalt  }
0x62: {  	_ =	shalt  }
0x63: {  	_ =	shalt  }
0x64: {  	_ =	shalt  }
0x65: {  	_ =	shalt  }
0x66: {  	_ =	shalt  }
0x67: {  	_ =	shalt  }
0x68: {  	_ =	shalt  }
0x69: {  	_ =	shalt  }
0x6a: {  	_ =	shalt  }
0x6b: {  	_ =	shalt  }
0x6c: {  	_ =	shalt  }
0x6d: {  	_ =	shalt  }
0x6e: {  	_ =	shalt  }
0x6f: {  	_ =	shalt  }
0x70: {  	_ =	shalt  }
0x71: {  	_ =	shalt  }
0x72: {  	_ =	shalt  }
0x73: {  	_ =	shalt  }
0x74: {  	_ =	shalt  }
0x75: {  	_ =	shalt  }
0x76: {  	_ =	shalt  }
0x77: {  	_ =	shalt  }
0x78: {  	_ =	shalt  }
0x79: {  	_ =	shalt  }
0x7a: {  	_ =	shalt  }
0x7b: {  	_ =	shalt  }
0x7c: {  	_ =	shalt  }
0x7d: {  	_ =	shalt  }
0x7e: {  	_ =	shalt  }
0x7f: {  	_ =	shalt  }
0x80: {  	_ =	shalt  }
0x81: {  	_ =	shalt  }
0x82: {  	_ =	shalt  }
0x83: {  	_ =	shalt  }
0x84: {  	_ =	shalt  }
0x85: {  	_ =	shalt  }
0x86: {  	_ =	shalt  }
0x87: {  	_ =	shalt  }
.Lfunc_end0:
.L_simem_size_0:
called_computation_lowered:
.L_overlay_start_0:
0x88: {  	s2 =	sld [smem:$0x3FD9]  }
0x89: {  	s3 =	sld [smem:$0x3FFE];
	_ =	sdelay $0x1  }
0x8a: {  	s1 =	srdreg.scid  }
0x8b: {  	s0 =	sand.u32 $0x1, s1  }
0x8c: {  	s17 =	sshll.u32 s0, $0xA;
	s2 =	sadd.s32 s3, s2  }
0x8d: {  	s2 =	sadd.s32 s2, s17  }
0x8e: {  	[smem:$0x3FB1] =	sst s2  }
0x8f: {  	_ = 	snop  }
0x90: {  	s2 =	sld [smem:$0x3FC9];
	(tm) =	ssettm $0x1  }
0x91: {  	s18 =	sld [smem:$0x3FFB];
	_ =	sdelay $0x3  }
0x92: {  	_ =	strace s18  }
0x93: {  	s3 =	sld [smem:$0x3FFC];
	_ =	sdelay $0x3  }
0x94: {  	_ =	strace s3  }
0x95: {  	s3 =	sld [smem:$0x3FFD];
	_ =	sdelay $0x3  }
0x96: {  	_ =	strace s3  }
0x97: {  	_ =	strace $0x8FFFFFFF  }
0x98: {  	s19 =	sld [smem:$0x3FDB];
	_ =	sdelay $0x1  }
0x99: {  	s4 =	simm.s32 $_scs_section_size  }
0x9a: {  	s5 =	simm.s32 $_size__tile_overlayer_lowered;
	s6 =	simm.s32 $_tile_overlayer_lowered  }
0x9b: {  	s22 =	simm.s32 $0x1BFF;
	s21 =	sshll.u32 s6, $0x1;
	s3 =	sadd.s32 s4, s19  }
0x9c: {  	s7 =	simm.s32 $0x0;
	s20 =	sshll.u32 s5, $0x1;
	s5 =	sadd.s32 s21, s3  }
0x9d: {  	[timem:s7], [sflag:s22] =	dma.local [hbm:s5], s20  }
0x9e: {  	_ =	swait.ge [sflag:s22], s20  }
0x9f: {  	s4 =	ssub.s32 $0x0, s20;
	[sflag:s22] =	ssyncset.done $0x0  }
0xa0: {  	[sflag:s22] =	ssyncadd.s32 s4;
	_ =	sdelay $0x1  }
0xa1: {  	s23 =	simm.s32 $0x1B8B  }
0xa2: {  	_ =	swait.ge [sflag:s23], $0x1  }
0xa3: {  	[sflag:s23] =	ssyncset.done $0x0  }
0xa4: {  	s25 =	simm.s32 $0x1B8E;
	s24 =	sld [smem:$0x3FFE];
	[sflag:s23] =	ssyncadd.s32 $0xFFFFFFFF  }
0xa5: {  	s26 =	simm.s32 $execute0_lowered;
	[smem:$0x3FD2] =	sst s25  }
0xa6: {  	s5 =	sshll.u32 s26, $0x1;
	_ =	strace $0x80000046;
	[dreg:$0x1] =	wrdreg $0xFFFFFFFF  }
0xa7: {  	s28 =	simm.s32 $_size_execute0_lowered;
	s3 =	sadd.s32 s3, s5;
	[dreg:$0x0] =	wrdreg $0x0  }
0xa8: {  	s5 =	sshll.u32 s28, $0x1;
	[dreg:$0x2] =	wrdreg s3  }
0xa9: {  	[dreg:$0x3] =	wrdreg s5  }
0xaa: {  	[dreg:$0x4] =	wrdreg $0xC0  }
0xab: {  	_ =	task [dreg:s7], $0x5FFFF  }
0xac: {  	[dreg:$0x1] =	wrdreg $0xFFFFFFFF  }
0xad: {  	[dreg:$0x0] =	wrdreg $0x60  }
0xae: {  	[dreg:$0x2] =	wrdreg s2  }
0xaf: {  	[dreg:$0x3] =	wrdreg s24  }
0xb0: {  	[dreg:$0x4] =	wrdreg $0xB7800  }
0xb1: {  	[dreg:$0x5] =	wrdreg $0x9  }
0xb2: {  	_ =	task.clear_ibuf [dreg:s7], $0x6FFFF;
	_ =	strace $0x90000046  }
0xb3: {  	s29 =	simm.s32 $0x9;
	_ =	strace $0x80000048  }
0xb4: {  	_ =	swait.ge [sflag:s29], $0x1  }
0xb5: {  	[sflag:s29] =	ssyncadd.s32 $0xFFFFFFFF  }
0xb6: {  	_ =	strace $0x90000048  }
0xb7: {  	_ =	sfence  }
0xb8: {  	s30 =	sld [smem:$0x0];
	_ =	sdelay $0x2  }
0xb9: {  	s31 =	sshll.u32 s1, $0xD;
	s1 =	sshrl.u32 s1, $0x2  }
0xba: {  	s3 =	sand.u32 $0x4000, s31;
	s1 =	sadd.s32 s1, s30  }
0xbb: {  	s0 =	sor.u32 s3, s0;
	s1 =	sshll.u32 s1, $0x11  }
0xbc: {  	s0 =	sor.u32 s1, s0  }
0xbd: {  	s0 =	sadd.s32 $0x8F2B, s0  }
0xbe: {  	[sflag:s0] =	ssyncadd.remote.s32 $0x1  }
0xbf: {  	_ =	sfence.sel $0xFFFF  }
0xc0: {  	[dreg:$0x0] =	wrdreg $0xFFFFFFFF;
	(pc) =	sbr.abs _section_cstart, $3  }
0xc1: {  	[dreg:$0x1] =	wrdreg $0xFFFFFFFF  }
0xc2: {  	_ =	task.clear_ibuf [dreg:s7], $0x2FFFF;
	_ =	strace $0x9FFFFFFF  }
0xc3: {  	(tm) =	ssettm $0x7FFFFFFF  }
tec
execute0_lowered:
.L_overlay_start_1:
0x0: {  	(tag) =	ssettag $0x1  }
0x1: {  	s1 =	rddreg [dreg:$0x0]  }
0x2: {  	s2 =	srdreg.scid;
	s6 =	rddreg [dreg:$0x1]  }
0x3: {  	s0 =	stileid.u32;
	s3 =	rddreg [dreg:$0x2]  }
0x4: {  	s4 =	simm.s32 $0x0;
	s16 =	simm.s32 $0x6780;
	s17 =	simm.s32 $0x8F80  }
0x5: {  	s18 =	simm.s32 $0x1;
	s19 =	simm.s32 $0x2;
	s20 =	simm.s32 $0x3  }
0x6: {  	s21 =	simm.s32 $0x4;
	s22 =	simm.s32 $0x26C0;
	s23 =	simm.s32 $0x6580  }
0x7: {  	s5 =	sand.u32 $0x1, s2;
	s2 =	rddreg [dreg:$0x3];
	s9 =	smul.u32 $0x2700, s0  }
0x8: {  	s24 =	sshll.u32 s0, $0x1;
	[smem:$0x7FF] =	sst s4;
	s10 =	smul.u32 $0x270, s0  }
0x9: {  	s29 =	smul.u32 $0x4E000, s0;
	s31 =	sshll.u32 s0, $0x6;
	s7 =	sor.u32 s5, s24  }
0xa: {  	_ =	strace $0x80000047;
	s11 =	smul.u32 $0x2710, s5;
	s28 =	ssub.s32 $0x2, s5  }
0xb: {  	s5 =	sadd.s32 $0x44C00, s6;
	s24 =	simm.s32 $0x0;
	s8 =	smul.u32 $0x4E2, s7  }
0xc: {  	s7 =	sshll.u32 s7, $0xB;
	s25 =	sadd.s32 s9, s6;
	s13 =	sshrl.u32 s28, $0x1  }
0xd: {  	s30 =	sshrl.u32 s29, $0x2;
	s12 =	sadd.s32 s7, s6;
	s26 =	sadd.s32 s10, s11  }
0xe: {  	s13 =	ssub.s32 s28, s13;
	s15 =	sadd.s32 s30, s3;
	s9 =	sshll.u32 s26, $0x4  }
0xf: {  	s7 =	sor.u32 $0x1C05, s31;
	s8 =	sadd.s32 s8, s6;
	s14 =	sadd.s32 s9, s6  }
0x10: {  	s6 =	sadd.s32 $0x1DA00, s25;
	s8 =	sadd.s32 $0x3C00, s8;
	s9 =	sadd.s32 $0xDA00, s12  }
0x11: {  	s12 =	smax.u32 s13, $0x1;
	s13 =	sshrl.u32 s15, $0x3;
	s15 =	simm.s32 $0x50  }
0x12: {  	s10 =	sadd.s32 $0x45200, s14;
	s11 =	sadd.s32 $0x93400, s14;
	s14 =	simm.s32 $0x5  }
.LBB2_1:
0x13: {  	[spmem:s13], [sflag:s7] =	dma.local [hbm:s6], $0x2800  }
0x14: {  	_ =	swait.ge [sflag:s14], $0x2800  }
0x15: {  	[sflag:s14] =	ssyncset.done $0x0  }
0x16: {  	[sflag:s14] =	ssyncadd.s32 $0xFFFFD800  }
0x17: {  	[tilespmem:s4], [sflag:$0x5] =	stream.linear.gather [hbm4b:s8+s4], $0x2710, $0x38;
	[tilespmem:$0x1F000] =	vst v63  }
0x18: {  	_ =	swait.ge [sflag:s14], $0x2710  }
0x19: {  	[sflag:s14] =	ssyncset.done $0x0  }
0x1a: {  	s25 =	simm.s32 $0x2780;
	[sflag:s14] =	ssyncadd.s32 $0xFFFFD8F0  }
0x1b: {  	[tilespmem:s25], [sflag:$0x5] =	stream.linear.gather [hbm4b:s9+s4], $0x3E80, $0x38;
	[tilespmem:$0x1F000] =	vst v63  }
0x1c: {  	_ =	swait.ge [sflag:s14], $0x3E80  }
0x1d: {  	[sflag:s14] =	ssyncset.done $0x0  }
0x1e: {  	[sflag:s14] =	ssyncadd.s32 $0xFFFFC180  }
0x1f: {  	s26 =	simm.s32 $0x0;
	[bflag:$0x0] =	sbarrier.arrive $0xFFFF  }
0x20: {  	[tilespmem:s16], [sflag:$0x1] =	stream.indirect.gather [hbm4b:s1+s15], $0x80, s26, s15, $0xb8;
	[tilespmem:$0x1F000] =	vst v63  }
0x21: {  	s30 =	simm.s32 $0x50  }
0x22: {  	[tilespmem:s17], [sflag:$0x2] =	stream.indirect.gather [hbm4b:s1+s15], $0x80, s30, s15, $0xb8;
	[tilespmem:$0x1F000] =	vst v63  }
0x23: {  	_ =	swait.ge [sflag:s18], $0x2800  }
0x24: {  	[sflag:s18] =	ssyncset.done $0x0  }
0x25: {  	[sflag:s18] =	ssyncadd.s32 $0xFFFFD800  }
0x26: {  	[spmem:s3] =	stream.indirect.scatter.add.f32 [tilespmem:s16], [sflag:$0x3], $0x80, s25, s15, $0xb8;
	[tilespmem:$0x1F000] =	vst v63  }
0x27: {  	_ =	swait.ge [sflag:s19], $0x2800  }
0x28: {  	[sflag:s19] =	ssyncset.done $0x0  }
0x29: {  	s31 =	simm.s32 $0x2800;
	[sflag:s19] =	ssyncadd.s32 $0xFFFFD800  }
0x2a: {  	[spmem:s3] =	stream.indirect.scatter.add.f32 [tilespmem:s17], [sflag:$0x4], $0x80, s31, s15, $0xb8;
	[tilespmem:$0x1F000] =	vst v63  }
0x2b: {  	_ =	swait.ge [sflag:s20], $0x2800  }
0x2c: {  	[sflag:s20] =	ssyncset.done $0x0  }
0x2d: {  	[sflag:s20] =	ssyncadd.s32 $0xFFFFD800  }
0x2e: {  	s28 =	simm.s32 $0x500;
	_ =	swait.ge [sflag:s21], $0x2800  }
0x2f: {  	s26 =	simm.s32 $0x280;
	s25 =	simm.s32 $0x2880;
	[sflag:s21] =	ssyncset.done $0x0  }
.LBB2_2:
0x30: {  	s29 =	sshra.s32 s26, $0x2  }
0x31: {  	[sflag:s21] =	ssyncadd.s32 $0xFFFFD800;
	s26 =	smov.u32 s28;
	s30 =	sadd.s32 $0x280, s28  }
0x32: {  	[tilespmem:s16], [sflag:$0x1] =	stream.indirect.gather [hbm4b:s1+s15], $0x80, s29, s15, $0xb8;
	[tilespmem:$0x1F000] =	vst v63  }
0x33: {  	p0 =	sne.s32 s28, $0x9880;
	s28 =	sadd.s32 $0x50, s29  }
0x34: {  	[tilespmem:s17], [sflag:$0x2] =	stream.indirect.gather [hbm4b:s1+s15], $0x80, s28, s15, $0xb8;
	[tilespmem:$0x1F000] =	vst v63  }
0x35: {  	_ =	swait.ge [sflag:s18], $0x2800  }
0x36: {  	[sflag:s18] =	ssyncset.done $0x0  }
0x37: {  	[sflag:s18] =	ssyncadd.s32 $0xFFFFD800  }
0x38: {  	[spmem:s3] =	stream.indirect.scatter.add.f32 [tilespmem:s16], [sflag:$0x3], $0x80, s25, s15, $0xb8;
	[tilespmem:$0x1F000] =	vst v63  }
0x39: {  	_ =	swait.ge [sflag:s19], $0x2800  }
0x3a: {  	[sflag:s19] =	ssyncset.done $0x0  }
0x3b: {  	s28 =	sadd.s32 $0x80, s25;
	[sflag:s19] =	ssyncadd.s32 $0xFFFFD800  }
0x3c: {  	[spmem:s3] =	stream.indirect.scatter.add.f32 [tilespmem:s17], [sflag:$0x4], $0x80, s28, s15, $0xb8;
	[tilespmem:$0x1F000] =	vst v63  }
.Ltmp0:
0x3d: {  	_ =	swait.ge [sflag:s20], $0x2800;
	(pc) =	sbr.rel @p0 .LBB2_2-.Ltmp0, $4  }
0x3e: {  	[sflag:s20] =	ssyncset.done $0x0  }
0x3f: {  	[sflag:s20] =	ssyncadd.s32 $0xFFFFD800  }
0x40: {  	_ =	swait.ge [sflag:s21], $0x2800  }
0x41: {  	s25 =	sadd.s32 $0x100, s25;
	s28 =	smov.u32 s30;
	[sflag:s21] =	ssyncset.done $0x0  }
0x42: {  	s26 =	sshra.s32 s26, $0x2;
	[sflag:s21] =	ssyncadd.s32 $0xFFFFD800  }
0x43: {  	[tilespmem:s16], [sflag:$0x1] =	stream.indirect.gather [hbm4b:s1+s15], $0x80, s26, s15, $0xb8;
	[tilespmem:$0x1F000] =	vst v63  }
0x44: {  	s26 =	sadd.s32 $0x50, s26  }
0x45: {  	[tilespmem:s17], [sflag:$0x2] =	stream.indirect.gather [hbm4b:s1+s15], $0x80, s26, s15, $0xb8;
	[tilespmem:$0x1F000] =	vst v63  }
0x46: {  	_ =	swait.ge [sflag:s18], $0x2800  }
0x47: {  	[sflag:s18] =	ssyncset.done $0x0  }
0x48: {  	[sflag:s18] =	ssyncadd.s32 $0xFFFFD800  }
0x49: {  	[spmem:s3] =	stream.indirect.scatter.add.f32 [tilespmem:s16], [sflag:$0x3], $0x80, s25, s15, $0xb8;
	[tilespmem:$0x1F000] =	vst v63  }
0x4a: {  	_ =	swait.ge [sflag:s19], $0x2800  }
0x4b: {  	[sflag:s19] =	ssyncset.done $0x0  }
0x4c: {  	s28 =	sadd.s32 $0x80, s25;
	[sflag:s19] =	ssyncadd.s32 $0xFFFFD800  }
0x4d: {  	[spmem:s3] =	stream.indirect.scatter.add.f32 [tilespmem:s17], [sflag:$0x4], $0x80, s28, s15, $0xb8;
	[tilespmem:$0x1F000] =	vst v63  }
0x4e: {  	_ =	swait.ge [sflag:s20], $0x2800  }
0x4f: {  	[sflag:s20] =	ssyncset.done $0x0  }
0x50: {  	[sflag:s20] =	ssyncadd.s32 $0xFFFFD800  }
0x51: {  	_ =	swait.ge [sflag:s21], $0x2800  }
0x52: {  	[sflag:s21] =	ssyncset.done $0x0  }
0x53: {  	[sflag:s21] =	ssyncadd.s32 $0xFFFFD800  }
0x54: {  	[tilespmem:s16], [sflag:$0x1] =	stream.indirect.gather [hbm4b:s1+s15], $0x80, s22, s15, $0xb8;
	[tilespmem:$0x1F000] =	vst v63  }
0x55: {  	_ =	swait.ge [sflag:s18], $0x2800  }
0x56: {  	[sflag:s18] =	ssyncset.done $0x0  }
0x57: {  	[sflag:s18] =	ssyncadd.s32 $0xFFFFD800  }
0x58: {  	[spmem:s3] =	stream.indirect.scatter.add.f32 [tilespmem:s16], [sflag:$0x3], $0x80, s23, s15, $0xb8;
	[tilespmem:$0x1F000] =	vst v63  }
0x59: {  	_ =	swait.ge [sflag:s20], $0x2800  }
0x5a: {  	[sflag:s20] =	ssyncset.done $0x0  }
0x5b: {  	[sflag:s20] =	ssyncadd.s32 $0xFFFFD800  }
0x5c: {  	[bflag:$0x0] =	sbarrier.arrive $0xFFFF  }
0x5d: {  	[hbm:s10], [sflag:s7] =	dma.local [spmem:s13], $0x2800  }
0x5e: {  	_ =	swait.ge [sflag:s14], $0x2800  }
0x5f: {  	[sflag:s14] =	ssyncset.done $0x0  }
0x60: {  	[sflag:s14] =	ssyncadd.s32 $0xFFFFD800  }
0x61: {  	[bflag:$0x0] =	sbarrier.arrive $0xFFFF  }
0x62: {  	[spmem:s13], [sflag:s7] =	dma.local [hbm:s6], $0x2800  }
0x63: {  	_ =	swait.ge [sflag:s14], $0x2800  }
0x64: {  	[sflag:s14] =	ssyncset.done $0x0  }
0x65: {  	s29 =	simm.s32 $0x0;
	[sflag:s14] =	ssyncadd.s32 $0xFFFFD800  }
0x66: {  	[tilespmem:s16], [sflag:$0x5] =	stream.linear.gather [hbm4b:s5+s29], $0x2800, $0x38;
	[tilespmem:$0x1F000] =	vst v63  }
0x67: {  	_ =	swait.ge [sflag:s14], $0x2800  }
0x68: {  	[sflag:s14] =	ssyncset.done $0x0  }
0x69: {  	[sflag:s14] =	ssyncadd.s32 $0xFFFFD800  }
0x6a: {  	s30 =	simm.s32 $0x2780;
	[bflag:$0x0] =	sbarrier.arrive $0xFFFF  }
0x6b: {  	[spmem:s3] =	stream.indirect.scatter.add.f32 [tilespmem:s16], [sflag:$0x3], $0x80, s30, s15, $0xb8;
	[tilespmem:$0x1F000] =	vst v63  }
0x6c: {  	s31 =	simm.s32 $0x2800  }
0x6d: {  	[spmem:s3] =	stream.indirect.scatter.add.f32 [tilespmem:s16], [sflag:$0x4], $0x80, s31, s15, $0xb8;
	[tilespmem:$0x1F000] =	vst v63  }
0x6e: {  	_ =	swait.ge [sflag:s20], $0x2800  }
0x6f: {  	[sflag:s20] =	ssyncset.done $0x0  }
0x70: {  	[sflag:s20] =	ssyncadd.s32 $0xFFFFD800  }
0x71: {  	_ =	swait.ge [sflag:s21], $0x2800  }
0x72: {  	s26 =	simm.s32 $0x800;
	s25 =	simm.s32 $0x100;
	[sflag:s21] =	ssyncset.done $0x0  }
.LBB2_4:
0x73: {  	s28 =	sadd.s32 $0x2780, s25  }
0x74: {  	[sflag:s21] =	ssyncadd.s32 $0xFFFFD800;
	s29 =	smov.u32 s26;
	s30 =	sadd.s32 $0x400, s26  }
0x75: {  	[spmem:s3] =	stream.indirect.scatter.add.f32 [tilespmem:s16], [sflag:$0x3], $0x80, s28, s15, $0xb8;
	[tilespmem:$0x1F000] =	vst v63  }
0x76: {  	p0 =	sne.s32 s26, $0xF400;
	s25 =	sadd.s32 $0x2800, s25  }
0x77: {  	[spmem:s3] =	stream.indirect.scatter.add.f32 [tilespmem:s16], [sflag:$0x4], $0x80, s25, s15, $0xb8;
	[tilespmem:$0x1F000] =	vst v63  }
.Ltmp1:
0x78: {  	_ =	swait.ge [sflag:s20], $0x2800;
	(pc) =	sbr.rel @p0 .LBB2_4-.Ltmp1, $4  }
0x79: {  	[sflag:s20] =	ssyncset.done $0x0  }
0x7a: {  	[sflag:s20] =	ssyncadd.s32 $0xFFFFD800  }
0x7b: {  	_ =	swait.ge [sflag:s21], $0x2800  }
0x7c: {  	s26 =	smov.u32 s30;
	s25 =	sshra.s32 s29, $0x2;
	[sflag:s21] =	ssyncset.done $0x0  }
0x7d: {  	s26 =	sadd.s32 $0x2780, s25;
	[sflag:s21] =	ssyncadd.s32 $0xFFFFD800  }
0x7e: {  	[spmem:s3] =	stream.indirect.scatter.add.f32 [tilespmem:s16], [sflag:$0x3], $0x80, s26, s15, $0xb8;
	[tilespmem:$0x1F000] =	vst v63  }
0x7f: {  	s31 =	sadd.s32 $0x2800, s25  }
0x80: {  	[spmem:s3] =	stream.indirect.scatter.add.f32 [tilespmem:s16], [sflag:$0x4], $0x80, s31, s15, $0xb8;
	[tilespmem:$0x1F000] =	vst v63  }
0x81: {  	_ =	swait.ge [sflag:s20], $0x2800  }
0x82: {  	[sflag:s20] =	ssyncset.done $0x0  }
0x83: {  	[sflag:s20] =	ssyncadd.s32 $0xFFFFD800  }
0x84: {  	_ =	swait.ge [sflag:s21], $0x2800  }
0x85: {  	[sflag:s21] =	ssyncset.done $0x0  }
0x86: {  	[sflag:s21] =	ssyncadd.s32 $0xFFFFD800  }
0x87: {  	[spmem:s3] =	stream.indirect.scatter.add.f32 [tilespmem:s16], [sflag:$0x3], $0x80, s23, s15, $0xb8;
	[tilespmem:$0x1F000] =	vst v63  }
0x88: {  	_ =	swait.ge [sflag:s20], $0x2800  }
0x89: {  	s24 =	sadd.s32 $0x1, s24;
	[sflag:s20] =	ssyncset.done $0x0  }
0x8a: {  	p0 =	sne.s32 s24, s12;
	[sflag:s20] =	ssyncadd.s32 $0xFFFFD800  }
.Ltmp2:
0x8b: {  	[bflag:$0x0] =	sbarrier.arrive $0xFFFF;
	(pc) =	sbr.rel @p0 .LBB2_1-.Ltmp2, $4  }
0x8c: {  	[hbm:s11], [sflag:s7] =	dma.local [spmem:s13], $0x2800  }
0x8d: {  	_ =	swait.ge [sflag:s14], $0x2800  }
0x8e: {  	[sflag:s14] =	ssyncset.done $0x0  }
0x8f: {  	[sflag:s14] =	ssyncadd.s32 $0xFFFFD800  }
0x90: {  	_ =	sfence.sel $0x180000  }
0x91: {  	[bflag:$0x0] =	sbarrier.arrive $0xFFFF  }
0x92: {  	p0 =	sne.s32 s0, $0x0;
	_ =	strace $0x90000047  }
0x93: {  	s0 =	sadd.s32 @!p0 $0x100000, s2;
	[bflag:$0x2] =	sbarrier.arrive $0xFFFF  }
0x94: {  	[sflag:s0] =	ssyncadd.tile.s32 @!p0 $0x1;
	_ =	shalt  }
.Lfunc_end2:
_tile_overlayer_lowered:
.L_overlay_start_2:
0x95: {  	(tag) =	ssettag $0x2  }
0x96: {  	s0 =	rddreg [dreg:$0x0];
	s2 =	stileid.u32  }
0x97: {  	s1 =	rddreg [dreg:$0x1];
	p0 =	sne.s32 s2, $0x0  }
0x98: {  	s3 =	rddreg [dreg:$0x2];
	[bflag:$0x3] =	sbarrier.arrive $0xFFFF;
	s2 =	simm.s32 @!p0 $0x1C05  }
0x99: {  	[timem:s3], [sflag:s2] =	dma.local @!p0 [hbm:s0], s1  }
0x9a: {  	s0 =	simm.s32 @!p0 $0x5  }
0x9b: {  	_ =	swait.ge @!p0 [sflag:s0], s1  }
0x9c: {  	s1 =	ssub.s32 @!p0 $0x0, s1;
	[sflag:s0] =	ssyncset.done @!p0 $0x0  }
0x9d: {  	[sflag:s0] =	ssyncadd.s32 @!p0 s1  }
0x9e: {  	[bflag:$0x3] =	sbarrier.arrive $0xFFFF  }
0x9f: {  	_ =	shalt  }

</sc_bundles>
